<compile_context>
chip_gen: v7x
topology: tpu7x:2x2x1
jax: 0.10.2.dev20260603
libtpu: 0.0.44.dev20260713+nightly
codegen_flags: <defaults>
</compile_context>

<pallas_src>
import functools

import jax
import jax.numpy as jnp
from jax import lax
from jax.experimental import pallas as pl
from jax.experimental.pallas import tpu as pltpu
from jax.experimental.pallas import tpu_sc as plsc

D = 4
W = 4194304
B = 16384
H = 64
M31 = 2147483647
_PRIMES = (1000003, 1000033, 1000037, 1000039)
_OFFS = (12582917, 25165843, 50331653, 100663319)

NC, NS, L = 2, 16, 16
NW = NC * NS
BW = B // NW
NV = BW // L
CHUNK = 128
NCH = (D * BW) // CHUNK

@functools.cache
def _sc_hash_gather_fn():
    mesh = plsc.VectorSubcoreMesh(
        core_axis_name="c", subcore_axis_name="s",
        num_cores=NC, num_subcores=NS)
    return functools.partial(
        pl.kernel,
        out_type=jax.ShapeDtypeStruct((D, B), jnp.float32),
        mesh=mesh,
        scratch_types=[
            pltpu.VMEM((BW,), jnp.uint32),
            pltpu.VMEM((NCH, CHUNK), jnp.int32),
            pltpu.VMEM((D * BW,), jnp.float32),
            pltpu.SemaphoreType.DMA,
        ],
        compiler_params=pltpu.CompilerParams(needs_layout_passes=False),
    )(_sc_hash_gather)


def _sc_hash_gather(x_hbm, sk_hbm, outT_hbm, x_v, idx_v, vals_v, sem):
    wid = lax.axis_index("s") * NC + lax.axis_index("c")
    base = wid * BW
    pltpu.sync_copy(x_hbm.at[pl.ds(base, BW)], x_v)
    jpc = CHUNK // L

    def hash_body(j, carry):
        xv = x_v[pl.ds(j * L, L)]
        xh = xv >> 10
        xl = xv & 1023
        row0 = j // jpc
        col = (j % jpc) * L
        for d in range(D):
            a = xh * _PRIMES[d]
            cc = xl * _PRIMES[d] + _OFFS[d]
            t = (a >> 21) + ((a & 0x1FFFFF) << 10)
            s = t + cc
            r = jnp.where((s < 0) | (s >= M31), s - M31, s)
            h = (((r & (W - 128)) << 2) | (d << 7)) | (r & 127)
            idx_v[row0 + d * (NCH // D), pl.ds(col, L)] = h
        return carry

    lax.fori_loop(jnp.int32(0), jnp.int32(NV), hash_body, jnp.int32(0))
    copies = [
        pltpu.async_copy(sk_hbm.at[idx_v.at[jnp.int32(c)]],
                         vals_v.at[pl.ds(c * CHUNK, CHUNK)], sem)
        for c in range(NCH)
    ]
    for cp in copies:
        cp.wait()
    for d in range(D):
        pltpu.sync_copy(vals_v.at[pl.ds(d * BW, BW)],
                        outT_hbm.at[jnp.int32(d), pl.ds(base, BW)])


def _tc_decode(valsT, fs, w1t, b1c, w2t, b2c, pred_o, rf_o, flg_o, is_o):
    ri = valsT[...]
    fs2 = fs[...]
    rf = jnp.min(ri, axis=0, keepdims=True)
    mean = jnp.mean(rf)
    flg_b = rf > mean
    flg = flg_b.astype(jnp.float32)
    denom = fs2 + 1e-6
    featT = jnp.concatenate([ri / denom, rf / denom, flg], axis=0)
    hT = jnp.dot(w1t[...], featT, preferred_element_type=jnp.float32)
    hT = jnp.maximum(hT + b1c[...], 0.0)
    outT = jnp.dot(w2t[...], hT, preferred_element_type=jnp.float32)
    outT = outT + b2c[...]
    pred_o[...] = outT[0:1, :] * fs2
    rf_o[...] = rf
    flg_o[...] = flg_b
    is_o[...] = 1.0 / (1.0 + jnp.exp(-outT[1:2, :]))


def kernel(batch_query_x, batch_freqs_sum, sketch, W1, b1, W2, b2):
    xin = batch_query_x.astype(jnp.uint32)
    skf = (sketch.astype(jnp.float32)
           .reshape(D, W // 128, 128)
           .transpose(1, 0, 2)
           .reshape(D * W))
    valsT = _sc_hash_gather_fn()(xin, skf)
    read_info = valsT.T
    fs2 = batch_freqs_sum.astype(jnp.float32).reshape(1, B)
    w1t = W1.astype(jnp.float32).T
    b1c = b1.astype(jnp.float32).reshape(H, 1)
    w2t = W2.astype(jnp.float32).T
    b2c = b2.astype(jnp.float32).reshape(2, 1)
    pred, rf, flg, isv = pl.pallas_call(
        _tc_decode,
        out_shape=[jax.ShapeDtypeStruct((1, B), jnp.float32),
                   jax.ShapeDtypeStruct((1, B), jnp.float32),
                   jax.ShapeDtypeStruct((1, B), jnp.bool_),
                   jax.ShapeDtypeStruct((1, B), jnp.float32)],
    )(valsT, fs2, w1t, b1c, w2t, b2c)
    return (pred.reshape(B), rf.reshape(B), flg.reshape(B),
            read_info, isv.reshape(B))

# --- scband reference (transcript-rebuilt; emitter-appended) ---
"""Pipeline reference for scband-ratio-sketch-17145509445669 (READ-ONLY COPY).

The authoritative reference and input builder live on the scoring server;
editing this copy changes nothing except your own understanding.
"""

import jax, jax.numpy as jnp
import numpy as np
jax.config.update("jax_enable_x64", True)

D = 4
W = 4194304
B = 16384
H = 64
PRIMES = np.array([1000003, 1000033, 1000037, 1000039], dtype=np.int64)
OFFS = np.array([12582917, 25165843, 50331653, 100663319], dtype=np.int64)


def setup_inputs(seed: int = 0) -> dict:
    key = jax.random.key(seed)
    k1, k2, k3, k4, k5 = jax.random.split(key, 5)
    batch_query_x = jax.random.randint(k1, (B,), 0, 1000000, dtype=jnp.int64)
    batch_freqs_sum = jax.random.uniform(k2, (B,), dtype=jnp.float32) * 100.0 + 1.0
    # base_sketch.sketch.data: count-min style table [d, w]
    sketch = jax.random.uniform(k3, (D, W), dtype=jnp.float32) * 10.0
    # decode_module params: MLP over [read_info (D), normalized read_freqs, heap_flag]
    W1 = jax.random.normal(k4, (D + 2, H), dtype=jnp.float32) * 0.1
    b1 = jnp.zeros((H,), dtype=jnp.float32)
    W2 = jax.random.normal(k5, (H, 2), dtype=jnp.float32) * 0.1
    b2 = jnp.zeros((2,), dtype=jnp.float32)
    return {"batch_query_x": batch_query_x, "batch_freqs_sum": batch_freqs_sum,
            "sketch": sketch, "W1": W1, "b1": b1, "W2": W2, "b2": b2}


def _hash(x):
    p = jnp.asarray(PRIMES)
    o = jnp.asarray(OFFS)
    return ((x[:, None] * p[None, :] + o[None, :]) % 2147483647) % W


def reference(batch_query_x, batch_freqs_sum, sketch, W1, b1, W2, b2):
    # base_sketch.query_all_hashes: gather one bucket per hash row per key
    hashes = _hash(batch_query_x)                      # [B, D] int
    rows = jnp.arange(D, dtype=hashes.dtype)[None, :]  # [1, D]
    read_info = sketch[rows, hashes]                   # [B, D] gathered counts
    # base_sketch.query_final: count-min estimate = min over hash rows
    read_freqs = jnp.min(read_info, axis=1)            # [B]
    heap_flags = read_freqs > jnp.mean(read_freqs)     # [B] bool
    # decode_module: learned ratio decoder over normalized sketch reads
    denom = batch_freqs_sum[:, None] + 1e-6
    feats = jnp.concatenate([read_info / denom,
                             read_freqs[:, None] / denom,
                             heap_flags.astype(jnp.float32)[:, None]], axis=1)  # [B, D+2]
    h = jax.nn.relu(feats @ W1 + b1)
    out = h @ W2 + b2
    dec_pred = out[:, 0] * batch_freqs_sum             # decoded frequency estimate
    dec_is = jax.nn.sigmoid(out[:, 1])                 # importance/selection score
    return (dec_pred, read_freqs, heap_flags, read_info, dec_is)

if __name__ == "__main__":
    import jax
    _d = setup_inputs()
    print(jax.jit(kernel)(*tuple(_d.values())))

</pallas_src>

<mosaic_0001>
#map = affine_map<(d0, d1) -> (0)>
#map1 = affine_map<(d0, d1) -> (0, 0)>
module attributes {stable_mosaic.version = 14 : i64} {
  func.func @_sc_hash_gather(%arg0: i32, %arg1: i32, %arg2: memref<16384xi32, #tpu.memory_space<hbm>>, %arg3: memref<16777216xf32, #tpu.memory_space<hbm>>, %arg4: memref<4x16384xf32, #tpu.memory_space<hbm>>, %arg5: memref<512xi32, #tpu.memory_space<vmem>>, %arg6: memref<16x128xi32, #tpu.memory_space<vmem>>, %arg7: memref<2048xf32, #tpu.memory_space<vmem>>, %arg8: memref<!tpu.dma_semaphore, #tpu.memory_space<semaphore_mem>>) attributes {dimension_semantics = [#tpu.dimension_semantics<core_parallel>, #tpu.dimension_semantics<subcore_parallel>], iteration_bounds = array<i64: 2, 16>, scalar_prefetch = 0 : i64, scratch_operands = 4 : i64, tpu.core_type = #tpu.core_type<sc_vector_subcore>, window_params = [{transform_indices = #map}, {transform_indices = #map}, {transform_indices = #map1}]} {
    %mul3A = arith.constant 2 : i32
    %mul3A_0 = arith.muli %arg1, %mul3A : i32
    %add3A = arith.addi %mul3A_0, %arg0 : i32
    %mul3A_1 = arith.constant 512 : i32
    %mul3A_2 = arith.muli %add3A, %mul3A_1 : i32
    "tpu.region"() ({
      %run_scoped3A_270 = tpu.sem_alloc : memref<!tpu.dma_semaphore, #tpu.memory_space<semaphore_mem>>
      %dma_start3A_271 = tpu.memref_slice %arg2[%mul3A_2] : memref<16384xi32, #tpu.memory_space<hbm>> -> memref<512xi32, #tpu.memory_space<hbm>>
      %dma_start3A_272 = tpu.memref_slice %arg2[%mul3A_2] : memref<16384xi32, #tpu.memory_space<hbm>> -> memref<512xi32, #tpu.memory_space<hbm>>
      tpu.enqueue_dma source(%dma_start3A_272 : memref<512xi32, #tpu.memory_space<hbm>>) target(%arg5 : memref<512xi32, #tpu.memory_space<vmem>>) target_semaphore(%run_scoped3A_270 : memref<!tpu.dma_semaphore, #tpu.memory_space<semaphore_mem>>)
      %dma_wait3A_273 = tpu.memref_slice %arg2[%mul3A_2] : memref<16384xi32, #tpu.memory_space<hbm>> -> memref<512xi32, #tpu.memory_space<hbm>>
      %dma_wait3A_274 = tpu.memref_slice %arg2[%mul3A_2] : memref<16384xi32, #tpu.memory_space<hbm>> -> memref<512xi32, #tpu.memory_space<hbm>>
      tpu.wait_dma2 semaphore(%run_scoped3A_270 : memref<!tpu.dma_semaphore, #tpu.memory_space<semaphore_mem>>) src(%dma_wait3A_274 : memref<512xi32, #tpu.memory_space<hbm>>) dst(%arg5 : memref<512xi32, #tpu.memory_space<vmem>>)
      tpu.yield
    }) : () -> ()
    %while3A = arith.constant 0 : i32
    %while3A_3 = arith.constant 0 : i32
    %while3A_4 = arith.constant 32 : i32
    %while3A_5 = arith.subi %while3A_4, %while3A_3 : i32
    %while3A_6 = arith.addi %while3A_3, %while3A_5 : i32
    %while3A_7 = arith.constant 1 : i32
    %while3A_8 = arith.divsi %while3A_5, %while3A_7 : i32
    %while3A_9 = arith.muli %while3A_8, %while3A_7 : i32
    %while3A_10 = arith.addi %while3A_3, %while3A_9 : i32
    %while3A_11 = arith.constant 1 : i32
    scf.for %while3A_270 = %while3A_3 to %while3A_10 step %while3A_11  : i32 {
      %mul3A_271 = arith.constant 16 : i32
      %mul3A_272 = arith.muli %while3A_270, %mul3A_271 : i32
      %get3A = arith.index_cast %mul3A_272 : i32 to index
      %get3A_273 = tpu.vector_load %arg5[%get3A] {strides = array<i32>} : memref<512xi32, #tpu.memory_space<vmem>>, vector<16xi32>,
      %shift_right_logical3A = arith.constant 10 : i32
      %shift_right_logical3A_274 = vector.broadcast %shift_right_logical3A : i32 to vector<16xi32>
      %shift_right_logical3A_275 = arith.shrui %get3A_273, %shift_right_logical3A_274 : vector<16xi32>
      %and3A = arith.constant 1023 : i32
      %and3A_276 = vector.broadcast %and3A : i32 to vector<16xi32>
      %and3A_277 = arith.andi %get3A_273, %and3A_276 : vector<16xi32>
      %jit3A = arith.constant 8 : i64
      %convert_element_type3A = arith.trunci %jit3A : i64 to i32
      %div3A = arith.divsi %while3A_270, %convert_element_type3A : i32
      %sign3A = arith.constant 0 : i32
      %sign3A_278 = arith.cmpi sgt, %while3A_270, %sign3A : i32
      %sign3A_279 = arith.extui %sign3A_278 : i1 to i32
      %sign3A_280 = arith.constant 0 : i32
      %sign3A_281 = arith.cmpi slt, %while3A_270, %sign3A_280 : i32
      %sign3A_282 = arith.extui %sign3A_281 : i1 to i32
      %sign3A_283 = arith.subi %sign3A_279, %sign3A_282 : i32
      %sign3A_284 = arith.constant 0 : i32
      %sign3A_285 = arith.cmpi sgt, %convert_element_type3A, %sign3A_284 : i32
      %sign3A_286 = arith.extui %sign3A_285 : i1 to i32
      %sign3A_287 = arith.constant 0 : i32
      %sign3A_288 = arith.cmpi slt, %convert_element_type3A, %sign3A_287 : i32
      %sign3A_289 = arith.extui %sign3A_288 : i1 to i32
      %sign3A_290 = arith.subi %sign3A_286, %sign3A_289 : i32
      %ne3A = arith.cmpi ne, %sign3A_283, %sign3A_290 : i32
      %rem3A = arith.remsi %while3A_270, %convert_element_type3A : i32
      %ne3A_291 = arith.constant 0 : i32
      %ne3A_292 = arith.cmpi ne, %rem3A, %ne3A_291 : i32
      %and3A_293 = arith.andi %ne3A, %ne3A_292 : i1
      %sub3A = arith.constant 1 : i32
      %sub3A_294 = arith.subi %div3A, %sub3A : i32
      %select_n3A = arith.select %and3A_293, %sub3A_294, %div3A : i32
      %jit3A_295 = arith.constant 8 : i64
      %convert_element_type3A_296 = arith.trunci %jit3A_295 : i64 to i32
      %eq3A = arith.constant 0 : i32
      %eq3A_297 = arith.cmpi eq, %convert_element_type3A_296, %eq3A : i32
      %jit3A_298 = arith.constant 1 : i32
      %select_n3A_299 = arith.select %eq3A_297, %jit3A_298, %convert_element_type3A_296 : i32
      %rem3A_300 = arith.remsi %while3A_270, %select_n3A_299 : i32
      %ne3A_301 = arith.constant 0 : i32
      %ne3A_302 = arith.cmpi ne, %rem3A_300, %ne3A_301 : i32
      %lt3A = arith.constant 0 : i32
      %lt3A_303 = arith.cmpi slt, %rem3A_300, %lt3A : i32
      %lt3A_304 = arith.constant 0 : i32
      %lt3A_305 = arith.cmpi slt, %select_n3A_299, %lt3A_304 : i32
      %ne3A_306 = arith.xori %lt3A_303, %lt3A_305 : i1
      %and3A_307 = arith.andi %ne3A_306, %ne3A_302 : i1
      %add3A_308 = arith.addi %rem3A_300, %select_n3A_299 : i32
      %select_n3A_309 = arith.select %and3A_307, %add3A_308, %rem3A_300 : i32
      %mul3A_310 = arith.constant 16 : i32
      %mul3A_311 = arith.muli %select_n3A_309, %mul3A_310 : i32
      %mul3A_312 = arith.constant 1000003 : i32
      %mul3A_313 = vector.broadcast %mul3A_312 : i32 to vector<16xi32>
      %mul3A_314 = arith.muli %shift_right_logical3A_275, %mul3A_313 : vector<16xi32>
      %mul3A_315 = arith.constant 1000003 : i32
      %mul3A_316 = vector.broadcast %mul3A_315 : i32 to vector<16xi32>
      %mul3A_317 = arith.muli %and3A_277, %mul3A_316 : vector<16xi32>
      %add3A_318 = arith.constant 12582917 : i32
      %add3A_319 = vector.broadcast %add3A_318 : i32 to vector<16xi32>
      %add3A_320 = arith.addi %mul3A_317, %add3A_319 : vector<16xi32>
      %shift_right_logical3A_321 = arith.constant 21 : i32
      %shift_right_logical3A_322 = vector.broadcast %shift_right_logical3A_321 : i32 to vector<16xi32>
      %shift_right_logical3A_323 = arith.shrui %mul3A_314, %shift_right_logical3A_322 : vector<16xi32>
      %and3A_324 = arith.constant 2097151 : i32
      %and3A_325 = vector.broadcast %and3A_324 : i32 to vector<16xi32>
      %and3A_326 = arith.andi %mul3A_314, %and3A_325 : vector<16xi32>
      %shift_left3A = arith.constant 10 : i32
      %shift_left3A_327 = vector.broadcast %shift_left3A : i32 to vector<16xi32>
      %shift_left3A_328 = arith.shli %and3A_326, %shift_left3A_327 : vector<16xi32>
      %add3A_329 = arith.addi %shift_right_logical3A_323, %shift_left3A_328 : vector<16xi32>
      %add3A_330 = arith.addi %add3A_329, %add3A_320 : vector<16xi32>
      %lt3A_331 = arith.constant 0 : i32
      %lt3A_332 = vector.broadcast %lt3A_331 : i32 to vector<16xi32>
      %lt3A_333 = arith.cmpi ult, %add3A_330, %lt3A_332 : vector<16xi32>
      %ge3A = arith.constant 2147483647 : i32
      %ge3A_334 = vector.broadcast %ge3A : i32 to vector<16xi32>
      %ge3A_335 = arith.cmpi uge, %add3A_330, %ge3A_334 : vector<16xi32>
      %or3A = arith.ori %lt3A_333, %ge3A_335 : vector<16xi1>
      %sub3A_336 = arith.constant 2147483647 : i32
      %sub3A_337 = vector.broadcast %sub3A_336 : i32 to vector<16xi32>
      %sub3A_338 = arith.subi %add3A_330, %sub3A_337 : vector<16xi32>
      %select_n3A_339 = arith.select %or3A, %sub3A_338, %add3A_330 : vector<16xi1>, vector<16xi32>
      %and3A_340 = arith.constant 4194176 : i32
      %and3A_341 = vector.broadcast %and3A_340 : i32 to vector<16xi32>
      %and3A_342 = arith.andi %select_n3A_339, %and3A_341 : vector<16xi32>
      %shift_left3A_343 = arith.constant 2 : i32
      %shift_left3A_344 = vector.broadcast %shift_left3A_343 : i32 to vector<16xi32>
      %shift_left3A_345 = arith.shli %and3A_342, %shift_left3A_344 : vector<16xi32>
      %or3A_346 = arith.constant 0 : i32
      %or3A_347 = vector.broadcast %or3A_346 : i32 to vector<16xi32>
      %or3A_348 = arith.ori %shift_left3A_345, %or3A_347 : vector<16xi32>
      %and3A_349 = arith.constant 127 : i32
      %and3A_350 = vector.broadcast %and3A_349 : i32 to vector<16xi32>
      %and3A_351 = arith.andi %select_n3A_339, %and3A_350 : vector<16xi32>
      %or3A_352 = arith.ori %or3A_348, %and3A_351 : vector<16xi32>
      %add3A_353 = arith.constant 0 : i32
      %add3A_354 = arith.addi %select_n3A, %add3A_353 : i32
      %swap3A = arith.index_cast %add3A_354 : i32 to index
      %swap3A_355 = arith.index_cast %mul3A_311 : i32 to index
      %swap3A_356 = tpu.vector_load %arg6[%swap3A, %swap3A_355] {strides = array<i32>} : memref<16x128xi32, #tpu.memory_space<vmem>>, vector<16xi32>,
      tpu.vector_store %arg6[%swap3A, %swap3A_355], %or3A_352 {strides = array<i32>} : memref<16x128xi32, #tpu.memory_space<vmem>>, vector<16xi32>,
      %mul3A_357 = arith.constant 1000033 : i32
      %mul3A_358 = vector.broadcast %mul3A_357 : i32 to vector<16xi32>
      %mul3A_359 = arith.muli %shift_right_logical3A_275, %mul3A_358 : vector<16xi32>
      %mul3A_360 = arith.constant 1000033 : i32
      %mul3A_361 = vector.broadcast %mul3A_360 : i32 to vector<16xi32>
      %mul3A_362 = arith.muli %and3A_277, %mul3A_361 : vector<16xi32>
      %add3A_363 = arith.constant 25165843 : i32
      %add3A_364 = vector.broadcast %add3A_363 : i32 to vector<16xi32>
      %add3A_365 = arith.addi %mul3A_362, %add3A_364 : vector<16xi32>
      %shift_right_logical3A_366 = arith.constant 21 : i32
      %shift_right_logical3A_367 = vector.broadcast %shift_right_logical3A_366 : i32 to vector<16xi32>
      %shift_right_logical3A_368 = arith.shrui %mul3A_359, %shift_right_logical3A_367 : vector<16xi32>
      %and3A_369 = arith.constant 2097151 : i32
      %and3A_370 = vector.broadcast %and3A_369 : i32 to vector<16xi32>
      %and3A_371 = arith.andi %mul3A_359, %and3A_370 : vector<16xi32>
      %shift_left3A_372 = arith.constant 10 : i32
      %shift_left3A_373 = vector.broadcast %shift_left3A_372 : i32 to vector<16xi32>
      %shift_left3A_374 = arith.shli %and3A_371, %shift_left3A_373 : vector<16xi32>
      %add3A_375 = arith.addi %shift_right_logical3A_368, %shift_left3A_374 : vector<16xi32>
      %add3A_376 = arith.addi %add3A_375, %add3A_365 : vector<16xi32>
      %lt3A_377 = arith.constant 0 : i32
      %lt3A_378 = vector.broadcast %lt3A_377 : i32 to vector<16xi32>
      %lt3A_379 = arith.cmpi ult, %add3A_376, %lt3A_378 : vector<16xi32>
      %ge3A_380 = arith.constant 2147483647 : i32
      %ge3A_381 = vector.broadcast %ge3A_380 : i32 to vector<16xi32>
      %ge3A_382 = arith.cmpi uge, %add3A_376, %ge3A_381 : vector<16xi32>
      %or3A_383 = arith.ori %lt3A_379, %ge3A_382 : vector<16xi1>
      %sub3A_384 = arith.constant 2147483647 : i32
      %sub3A_385 = vector.broadcast %sub3A_384 : i32 to vector<16xi32>
      %sub3A_386 = arith.subi %add3A_376, %sub3A_385 : vector<16xi32>
      %select_n3A_387 = arith.select %or3A_383, %sub3A_386, %add3A_376 : vector<16xi1>, vector<16xi32>
      %and3A_388 = arith.constant 4194176 : i32
      %and3A_389 = vector.broadcast %and3A_388 : i32 to vector<16xi32>
      %and3A_390 = arith.andi %select_n3A_387, %and3A_389 : vector<16xi32>
      %shift_left3A_391 = arith.constant 2 : i32
      %shift_left3A_392 = vector.broadcast %shift_left3A_391 : i32 to vector<16xi32>
      %shift_left3A_393 = arith.shli %and3A_390, %shift_left3A_392 : vector<16xi32>
      %or3A_394 = arith.constant 128 : i32
      %or3A_395 = vector.broadcast %or3A_394 : i32 to vector<16xi32>
      %or3A_396 = arith.ori %shift_left3A_393, %or3A_395 : vector<16xi32>
      %and3A_397 = arith.constant 127 : i32
      %and3A_398 = vector.broadcast %and3A_397 : i32 to vector<16xi32>
      %and3A_399 = arith.andi %select_n3A_387, %and3A_398 : vector<16xi32>
      %or3A_400 = arith.ori %or3A_396, %and3A_399 : vector<16xi32>
      %add3A_401 = arith.constant 4 : i32
      %add3A_402 = arith.addi %select_n3A, %add3A_401 : i32
      %swap3A_403 = arith.index_cast %add3A_402 : i32 to index
      %swap3A_404 = arith.index_cast %mul3A_311 : i32 to index
      %swap3A_405 = tpu.vector_load %arg6[%swap3A_403, %swap3A_404] {strides = array<i32>} : memref<16x128xi32, #tpu.memory_space<vmem>>, vector<16xi32>,
      tpu.vector_store %arg6[%swap3A_403, %swap3A_404], %or3A_400 {strides = array<i32>} : memref<16x128xi32, #tpu.memory_space<vmem>>, vector<16xi32>,
      %mul3A_406 = arith.constant 1000037 : i32
      %mul3A_407 = vector.broadcast %mul3A_406 : i32 to vector<16xi32>
      %mul3A_408 = arith.muli %shift_right_logical3A_275, %mul3A_407 : vector<16xi32>
      %mul3A_409 = arith.constant 1000037 : i32
      %mul3A_410 = vector.broadcast %mul3A_409 : i32 to vector<16xi32>
      %mul3A_411 = arith.muli %and3A_277, %mul3A_410 : vector<16xi32>
      %add3A_412 = arith.constant 50331653 : i32
      %add3A_413 = vector.broadcast %add3A_412 : i32 to vector<16xi32>
      %add3A_414 = arith.addi %mul3A_411, %add3A_413 : vector<16xi32>
      %shift_right_logical3A_415 = arith.constant 21 : i32
      %shift_right_logical3A_416 = vector.broadcast %shift_right_logical3A_415 : i32 to vector<16xi32>
      %shift_right_logical3A_417 = arith.shrui %mul3A_408, %shift_right_logical3A_416 : vector<16xi32>
      %and3A_418 = arith.constant 2097151 : i32
      %and3A_419 = vector.broadcast %and3A_418 : i32 to vector<16xi32>
      %and3A_420 = arith.andi %mul3A_408, %and3A_419 : vector<16xi32>
      %shift_left3A_421 = arith.constant 10 : i32
      %shift_left3A_422 = vector.broadcast %shift_left3A_421 : i32 to vector<16xi32>
      %shift_left3A_423 = arith.shli %and3A_420, %shift_left3A_422 : vector<16xi32>
      %add3A_424 = arith.addi %shift_right_logical3A_417, %shift_left3A_423 : vector<16xi32>
      %add3A_425 = arith.addi %add3A_424, %add3A_414 : vector<16xi32>
      %lt3A_426 = arith.constant 0 : i32
      %lt3A_427 = vector.broadcast %lt3A_426 : i32 to vector<16xi32>
      %lt3A_428 = arith.cmpi ult, %add3A_425, %lt3A_427 : vector<16xi32>
      %ge3A_429 = arith.constant 2147483647 : i32
      %ge3A_430 = vector.broadcast %ge3A_429 : i32 to vector<16xi32>
      %ge3A_431 = arith.cmpi uge, %add3A_425, %ge3A_430 : vector<16xi32>
      %or3A_432 = arith.ori %lt3A_428, %ge3A_431 : vector<16xi1>
      %sub3A_433 = arith.constant 2147483647 : i32
      %sub3A_434 = vector.broadcast %sub3A_433 : i32 to vector<16xi32>
      %sub3A_435 = arith.subi %add3A_425, %sub3A_434 : vector<16xi32>
      %select_n3A_436 = arith.select %or3A_432, %sub3A_435, %add3A_425 : vector<16xi1>, vector<16xi32>
      %and3A_437 = arith.constant 4194176 : i32
      %and3A_438 = vector.broadcast %and3A_437 : i32 to vector<16xi32>
      %and3A_439 = arith.andi %select_n3A_436, %and3A_438 : vector<16xi32>
      %shift_left3A_440 = arith.constant 2 : i32
      %shift_left3A_441 = vector.broadcast %shift_left3A_440 : i32 to vector<16xi32>
      %shift_left3A_442 = arith.shli %and3A_439, %shift_left3A_441 : vector<16xi32>
      %or3A_443 = arith.constant 256 : i32
      %or3A_444 = vector.broadcast %or3A_443 : i32 to vector<16xi32>
      %or3A_445 = arith.ori %shift_left3A_442, %or3A_444 : vector<16xi32>
      %and3A_446 = arith.constant 127 : i32
      %and3A_447 = vector.broadcast %and3A_446 : i32 to vector<16xi32>
      %and3A_448 = arith.andi %select_n3A_436, %and3A_447 : vector<16xi32>
      %or3A_449 = arith.ori %or3A_445, %and3A_448 : vector<16xi32>
      %add3A_450 = arith.constant 8 : i32
      %add3A_451 = arith.addi %select_n3A, %add3A_450 : i32
      %swap3A_452 = arith.index_cast %add3A_451 : i32 to index
      %swap3A_453 = arith.index_cast %mul3A_311 : i32 to index
      %swap3A_454 = tpu.vector_load %arg6[%swap3A_452, %swap3A_453] {strides = array<i32>} : memref<16x128xi32, #tpu.memory_space<vmem>>, vector<16xi32>,
      tpu.vector_store %arg6[%swap3A_452, %swap3A_453], %or3A_449 {strides = array<i32>} : memref<16x128xi32, #tpu.memory_space<vmem>>, vector<16xi32>,
      %mul3A_455 = arith.constant 1000039 : i32
      %mul3A_456 = vector.broadcast %mul3A_455 : i32 to vector<16xi32>
      %mul3A_457 = arith.muli %shift_right_logical3A_275, %mul3A_456 : vector<16xi32>
      %mul3A_458 = arith.constant 1000039 : i32
      %mul3A_459 = vector.broadcast %mul3A_458 : i32 to vector<16xi32>
      %mul3A_460 = arith.muli %and3A_277, %mul3A_459 : vector<16xi32>
      %add3A_461 = arith.constant 100663319 : i32
      %add3A_462 = vector.broadcast %add3A_461 : i32 to vector<16xi32>
      %add3A_463 = arith.addi %mul3A_460, %add3A_462 : vector<16xi32>
      %shift_right_logical3A_464 = arith.constant 21 : i32
      %shift_right_logical3A_465 = vector.broadcast %shift_right_logical3A_464 : i32 to vector<16xi32>
      %shift_right_logical3A_466 = arith.shrui %mul3A_457, %shift_right_logical3A_465 : vector<16xi32>
      %and3A_467 = arith.constant 2097151 : i32
      %and3A_468 = vector.broadcast %and3A_467 : i32 to vector<16xi32>
      %and3A_469 = arith.andi %mul3A_457, %and3A_468 : vector<16xi32>
      %shift_left3A_470 = arith.constant 10 : i32
      %shift_left3A_471 = vector.broadcast %shift_left3A_470 : i32 to vector<16xi32>
      %shift_left3A_472 = arith.shli %and3A_469, %shift_left3A_471 : vector<16xi32>
      %add3A_473 = arith.addi %shift_right_logical3A_466, %shift_left3A_472 : vector<16xi32>
      %add3A_474 = arith.addi %add3A_473, %add3A_463 : vector<16xi32>
      %lt3A_475 = arith.constant 0 : i32
      %lt3A_476 = vector.broadcast %lt3A_475 : i32 to vector<16xi32>
      %lt3A_477 = arith.cmpi ult, %add3A_474, %lt3A_476 : vector<16xi32>
      %ge3A_478 = arith.constant 2147483647 : i32
      %ge3A_479 = vector.broadcast %ge3A_478 : i32 to vector<16xi32>
      %ge3A_480 = arith.cmpi uge, %add3A_474, %ge3A_479 : vector<16xi32>
      %or3A_481 = arith.ori %lt3A_477, %ge3A_480 : vector<16xi1>
      %sub3A_482 = arith.constant 2147483647 : i32
      %sub3A_483 = vector.broadcast %sub3A_482 : i32 to vector<16xi32>
      %sub3A_484 = arith.subi %add3A_474, %sub3A_483 : vector<16xi32>
      %select_n3A_485 = arith.select %or3A_481, %sub3A_484, %add3A_474 : vector<16xi1>, vector<16xi32>
      %and3A_486 = arith.constant 4194176 : i32
      %and3A_487 = vector.broadcast %and3A_486 : i32 to vector<16xi32>
      %and3A_488 = arith.andi %select_n3A_485, %and3A_487 : vector<16xi32>
      %shift_left3A_489 = arith.constant 2 : i32
      %shift_left3A_490 = vector.broadcast %shift_left3A_489 : i32 to vector<16xi32>
      %shift_left3A_491 = arith.shli %and3A_488, %shift_left3A_490 : vector<16xi32>
      %or3A_492 = arith.constant 384 : i32
      %or3A_493 = vector.broadcast %or3A_492 : i32 to vector<16xi32>
      %or3A_494 = arith.ori %shift_left3A_491, %or3A_493 : vector<16xi32>
      %and3A_495 = arith.constant 127 : i32
      %and3A_496 = vector.broadcast %and3A_495 : i32 to vector<16xi32>
      %and3A_497 = arith.andi %select_n3A_485, %and3A_496 : vector<16xi32>
      %or3A_498 = arith.ori %or3A_494, %and3A_497 : vector<16xi32>
      %add3A_499 = arith.constant 12 : i32
      %add3A_500 = arith.addi %select_n3A, %add3A_499 : i32
      %swap3A_501 = arith.index_cast %add3A_500 : i32 to index
      %swap3A_502 = arith.index_cast %mul3A_311 : i32 to index
      %swap3A_503 = tpu.vector_load %arg6[%swap3A_501, %swap3A_502] {strides = array<i32>} : memref<16x128xi32, #tpu.memory_space<vmem>>, vector<16xi32>,
      tpu.vector_store %arg6[%swap3A_501, %swap3A_502], %or3A_498 {strides = array<i32>} : memref<16x128xi32, #tpu.memory_space<vmem>>, vector<16xi32>,
    }
    %while3A_12 = arith.constant 1 : i32
    scf.for %while3A_270 = %while3A_10 to %while3A_6 step %while3A_12  : i32 {
      %mul3A_271 = arith.constant 16 : i32
      %mul3A_272 = arith.muli %while3A_270, %mul3A_271 : i32
      %get3A = arith.index_cast %mul3A_272 : i32 to index
      %get3A_273 = tpu.vector_load %arg5[%get3A] {strides = array<i32>} : memref<512xi32, #tpu.memory_space<vmem>>, vector<16xi32>,
      %shift_right_logical3A = arith.constant 10 : i32
      %shift_right_logical3A_274 = vector.broadcast %shift_right_logical3A : i32 to vector<16xi32>
      %shift_right_logical3A_275 = arith.shrui %get3A_273, %shift_right_logical3A_274 : vector<16xi32>
      %and3A = arith.constant 1023 : i32
      %and3A_276 = vector.broadcast %and3A : i32 to vector<16xi32>
      %and3A_277 = arith.andi %get3A_273, %and3A_276 : vector<16xi32>
      %jit3A = arith.constant 8 : i64
      %convert_element_type3A = arith.trunci %jit3A : i64 to i32
      %div3A = arith.divsi %while3A_270, %convert_element_type3A : i32
      %sign3A = arith.constant 0 : i32
      %sign3A_278 = arith.cmpi sgt, %while3A_270, %sign3A : i32
      %sign3A_279 = arith.extui %sign3A_278 : i1 to i32
      %sign3A_280 = arith.constant 0 : i32
      %sign3A_281 = arith.cmpi slt, %while3A_270, %sign3A_280 : i32
      %sign3A_282 = arith.extui %sign3A_281 : i1 to i32
      %sign3A_283 = arith.subi %sign3A_279, %sign3A_282 : i32
      %sign3A_284 = arith.constant 0 : i32
      %sign3A_285 = arith.cmpi sgt, %convert_element_type3A, %sign3A_284 : i32
      %sign3A_286 = arith.extui %sign3A_285 : i1 to i32
      %sign3A_287 = arith.constant 0 : i32
      %sign3A_288 = arith.cmpi slt, %convert_element_type3A, %sign3A_287 : i32
      %sign3A_289 = arith.extui %sign3A_288 : i1 to i32
      %sign3A_290 = arith.subi %sign3A_286, %sign3A_289 : i32
      %ne3A = arith.cmpi ne, %sign3A_283, %sign3A_290 : i32
      %rem3A = arith.remsi %while3A_270, %convert_element_type3A : i32
      %ne3A_291 = arith.constant 0 : i32
      %ne3A_292 = arith.cmpi ne, %rem3A, %ne3A_291 : i32
      %and3A_293 = arith.andi %ne3A, %ne3A_292 : i1
      %sub3A = arith.constant 1 : i32
      %sub3A_294 = arith.subi %div3A, %sub3A : i32
      %select_n3A = arith.select %and3A_293, %sub3A_294, %div3A : i32
      %jit3A_295 = arith.constant 8 : i64
      %convert_element_type3A_296 = arith.trunci %jit3A_295 : i64 to i32
      %eq3A = arith.constant 0 : i32
      %eq3A_297 = arith.cmpi eq, %convert_element_type3A_296, %eq3A : i32
      %jit3A_298 = arith.constant 1 : i32
      %select_n3A_299 = arith.select %eq3A_297, %jit3A_298, %convert_element_type3A_296 : i32
      %rem3A_300 = arith.remsi %while3A_270, %select_n3A_299 : i32
      %ne3A_301 = arith.constant 0 : i32
      %ne3A_302 = arith.cmpi ne, %rem3A_300, %ne3A_301 : i32
      %lt3A = arith.constant 0 : i32
      %lt3A_303 = arith.cmpi slt, %rem3A_300, %lt3A : i32
      %lt3A_304 = arith.constant 0 : i32
      %lt3A_305 = arith.cmpi slt, %select_n3A_299, %lt3A_304 : i32
      %ne3A_306 = arith.xori %lt3A_303, %lt3A_305 : i1
      %and3A_307 = arith.andi %ne3A_306, %ne3A_302 : i1
      %add3A_308 = arith.addi %rem3A_300, %select_n3A_299 : i32
      %select_n3A_309 = arith.select %and3A_307, %add3A_308, %rem3A_300 : i32
      %mul3A_310 = arith.constant 16 : i32
      %mul3A_311 = arith.muli %select_n3A_309, %mul3A_310 : i32
      %mul3A_312 = arith.constant 1000003 : i32
      %mul3A_313 = vector.broadcast %mul3A_312 : i32 to vector<16xi32>
      %mul3A_314 = arith.muli %shift_right_logical3A_275, %mul3A_313 : vector<16xi32>
      %mul3A_315 = arith.constant 1000003 : i32
      %mul3A_316 = vector.broadcast %mul3A_315 : i32 to vector<16xi32>
      %mul3A_317 = arith.muli %and3A_277, %mul3A_316 : vector<16xi32>
      %add3A_318 = arith.constant 12582917 : i32
      %add3A_319 = vector.broadcast %add3A_318 : i32 to vector<16xi32>
      %add3A_320 = arith.addi %mul3A_317, %add3A_319 : vector<16xi32>
      %shift_right_logical3A_321 = arith.constant 21 : i32
      %shift_right_logical3A_322 = vector.broadcast %shift_right_logical3A_321 : i32 to vector<16xi32>
      %shift_right_logical3A_323 = arith.shrui %mul3A_314, %shift_right_logical3A_322 : vector<16xi32>
      %and3A_324 = arith.constant 2097151 : i32
      %and3A_325 = vector.broadcast %and3A_324 : i32 to vector<16xi32>
      %and3A_326 = arith.andi %mul3A_314, %and3A_325 : vector<16xi32>
      %shift_left3A = arith.constant 10 : i32
      %shift_left3A_327 = vector.broadcast %shift_left3A : i32 to vector<16xi32>
      %shift_left3A_328 = arith.shli %and3A_326, %shift_left3A_327 : vector<16xi32>
      %add3A_329 = arith.addi %shift_right_logical3A_323, %shift_left3A_328 : vector<16xi32>
      %add3A_330 = arith.addi %add3A_329, %add3A_320 : vector<16xi32>
      %lt3A_331 = arith.constant 0 : i32
      %lt3A_332 = vector.broadcast %lt3A_331 : i32 to vector<16xi32>
      %lt3A_333 = arith.cmpi ult, %add3A_330, %lt3A_332 : vector<16xi32>
      %ge3A = arith.constant 2147483647 : i32
      %ge3A_334 = vector.broadcast %ge3A : i32 to vector<16xi32>
      %ge3A_335 = arith.cmpi uge, %add3A_330, %ge3A_334 : vector<16xi32>
      %or3A = arith.ori %lt3A_333, %ge3A_335 : vector<16xi1>
      %sub3A_336 = arith.constant 2147483647 : i32
      %sub3A_337 = vector.broadcast %sub3A_336 : i32 to vector<16xi32>
      %sub3A_338 = arith.subi %add3A_330, %sub3A_337 : vector<16xi32>
      %select_n3A_339 = arith.select %or3A, %sub3A_338, %add3A_330 : vector<16xi1>, vector<16xi32>
      %and3A_340 = arith.constant 4194176 : i32
      %and3A_341 = vector.broadcast %and3A_340 : i32 to vector<16xi32>
      %and3A_342 = arith.andi %select_n3A_339, %and3A_341 : vector<16xi32>
      %shift_left3A_343 = arith.constant 2 : i32
      %shift_left3A_344 = vector.broadcast %shift_left3A_343 : i32 to vector<16xi32>
      %shift_left3A_345 = arith.shli %and3A_342, %shift_left3A_344 : vector<16xi32>
      %or3A_346 = arith.constant 0 : i32
      %or3A_347 = vector.broadcast %or3A_346 : i32 to vector<16xi32>
      %or3A_348 = arith.ori %shift_left3A_345, %or3A_347 : vector<16xi32>
      %and3A_349 = arith.constant 127 : i32
      %and3A_350 = vector.broadcast %and3A_349 : i32 to vector<16xi32>
      %and3A_351 = arith.andi %select_n3A_339, %and3A_350 : vector<16xi32>
      %or3A_352 = arith.ori %or3A_348, %and3A_351 : vector<16xi32>
      %add3A_353 = arith.constant 0 : i32
      %add3A_354 = arith.addi %select_n3A, %add3A_353 : i32
      %swap3A = arith.index_cast %add3A_354 : i32 to index
      %swap3A_355 = arith.index_cast %mul3A_311 : i32 to index
      %swap3A_356 = tpu.vector_load %arg6[%swap3A, %swap3A_355] {strides = array<i32>} : memref<16x128xi32, #tpu.memory_space<vmem>>, vector<16xi32>,
      tpu.vector_store %arg6[%swap3A, %swap3A_355], %or3A_352 {strides = array<i32>} : memref<16x128xi32, #tpu.memory_space<vmem>>, vector<16xi32>,
      %mul3A_357 = arith.constant 1000033 : i32
      %mul3A_358 = vector.broadcast %mul3A_357 : i32 to vector<16xi32>
      %mul3A_359 = arith.muli %shift_right_logical3A_275, %mul3A_358 : vector<16xi32>
      %mul3A_360 = arith.constant 1000033 : i32
      %mul3A_361 = vector.broadcast %mul3A_360 : i32 to vector<16xi32>
      %mul3A_362 = arith.muli %and3A_277, %mul3A_361 : vector<16xi32>
      %add3A_363 = arith.constant 25165843 : i32
      %add3A_364 = vector.broadcast %add3A_363 : i32 to vector<16xi32>
      %add3A_365 = arith.addi %mul3A_362, %add3A_364 : vector<16xi32>
      %shift_right_logical3A_366 = arith.constant 21 : i32
      %shift_right_logical3A_367 = vector.broadcast %shift_right_logical3A_366 : i32 to vector<16xi32>
      %shift_right_logical3A_368 = arith.shrui %mul3A_359, %shift_right_logical3A_367 : vector<16xi32>
      %and3A_369 = arith.constant 2097151 : i32
      %and3A_370 = vector.broadcast %and3A_369 : i32 to vector<16xi32>
      %and3A_371 = arith.andi %mul3A_359, %and3A_370 : vector<16xi32>
      %shift_left3A_372 = arith.constant 10 : i32
      %shift_left3A_373 = vector.broadcast %shift_left3A_372 : i32 to vector<16xi32>
      %shift_left3A_374 = arith.shli %and3A_371, %shift_left3A_373 : vector<16xi32>
      %add3A_375 = arith.addi %shift_right_logical3A_368, %shift_left3A_374 : vector<16xi32>
      %add3A_376 = arith.addi %add3A_375, %add3A_365 : vector<16xi32>
      %lt3A_377 = arith.constant 0 : i32
      %lt3A_378 = vector.broadcast %lt3A_377 : i32 to vector<16xi32>
      %lt3A_379 = arith.cmpi ult, %add3A_376, %lt3A_378 : vector<16xi32>
      %ge3A_380 = arith.constant 2147483647 : i32
      %ge3A_381 = vector.broadcast %ge3A_380 : i32 to vector<16xi32>
      %ge3A_382 = arith.cmpi uge, %add3A_376, %ge3A_381 : vector<16xi32>
      %or3A_383 = arith.ori %lt3A_379, %ge3A_382 : vector<16xi1>
      %sub3A_384 = arith.constant 2147483647 : i32
      %sub3A_385 = vector.broadcast %sub3A_384 : i32 to vector<16xi32>
      %sub3A_386 = arith.subi %add3A_376, %sub3A_385 : vector<16xi32>
      %select_n3A_387 = arith.select %or3A_383, %sub3A_386, %add3A_376 : vector<16xi1>, vector<16xi32>
      %and3A_388 = arith.constant 4194176 : i32
      %and3A_389 = vector.broadcast %and3A_388 : i32 to vector<16xi32>
      %and3A_390 = arith.andi %select_n3A_387, %and3A_389 : vector<16xi32>
      %shift_left3A_391 = arith.constant 2 : i32
      %shift_left3A_392 = vector.broadcast %shift_left3A_391 : i32 to vector<16xi32>
      %shift_left3A_393 = arith.shli %and3A_390, %shift_left3A_392 : vector<16xi32>
      %or3A_394 = arith.constant 128 : i32
      %or3A_395 = vector.broadcast %or3A_394 : i32 to vector<16xi32>
      %or3A_396 = arith.ori %shift_left3A_393, %or3A_395 : vector<16xi32>
      %and3A_397 = arith.constant 127 : i32
      %and3A_398 = vector.broadcast %and3A_397 : i32 to vector<16xi32>
      %and3A_399 = arith.andi %select_n3A_387, %and3A_398 : vector<16xi32>
      %or3A_400 = arith.ori %or3A_396, %and3A_399 : vector<16xi32>
      %add3A_401 = arith.constant 4 : i32
      %add3A_402 = arith.addi %select_n3A, %add3A_401 : i32
      %swap3A_403 = arith.index_cast %add3A_402 : i32 to index
      %swap3A_404 = arith.index_cast %mul3A_311 : i32 to index
      %swap3A_405 = tpu.vector_load %arg6[%swap3A_403, %swap3A_404] {strides = array<i32>} : memref<16x128xi32, #tpu.memory_space<vmem>>, vector<16xi32>,
      tpu.vector_store %arg6[%swap3A_403, %swap3A_404], %or3A_400 {strides = array<i32>} : memref<16x128xi32, #tpu.memory_space<vmem>>, vector<16xi32>,
      %mul3A_406 = arith.constant 1000037 : i32
      %mul3A_407 = vector.broadcast %mul3A_406 : i32 to vector<16xi32>
      %mul3A_408 = arith.muli %shift_right_logical3A_275, %mul3A_407 : vector<16xi32>
      %mul3A_409 = arith.constant 1000037 : i32
      %mul3A_410 = vector.broadcast %mul3A_409 : i32 to vector<16xi32>
      %mul3A_411 = arith.muli %and3A_277, %mul3A_410 : vector<16xi32>
      %add3A_412 = arith.constant 50331653 : i32
      %add3A_413 = vector.broadcast %add3A_412 : i32 to vector<16xi32>
      %add3A_414 = arith.addi %mul3A_411, %add3A_413 : vector<16xi32>
      %shift_right_logical3A_415 = arith.constant 21 : i32
      %shift_right_logical3A_416 = vector.broadcast %shift_right_logical3A_415 : i32 to vector<16xi32>
      %shift_right_logical3A_417 = arith.shrui %mul3A_408, %shift_right_logical3A_416 : vector<16xi32>
      %and3A_418 = arith.constant 2097151 : i32
      %and3A_419 = vector.broadcast %and3A_418 : i32 to vector<16xi32>
      %and3A_420 = arith.andi %mul3A_408, %and3A_419 : vector<16xi32>
      %shift_left3A_421 = arith.constant 10 : i32
      %shift_left3A_422 = vector.broadcast %shift_left3A_421 : i32 to vector<16xi32>
      %shift_left3A_423 = arith.shli %and3A_420, %shift_left3A_422 : vector<16xi32>
      %add3A_424 = arith.addi %shift_right_logical3A_417, %shift_left3A_423 : vector<16xi32>
      %add3A_425 = arith.addi %add3A_424, %add3A_414 : vector<16xi32>
      %lt3A_426 = arith.constant 0 : i32
      %lt3A_427 = vector.broadcast %lt3A_426 : i32 to vector<16xi32>
      %lt3A_428 = arith.cmpi ult, %add3A_425, %lt3A_427 : vector<16xi32>
      %ge3A_429 = arith.constant 2147483647 : i32
      %ge3A_430 = vector.broadcast %ge3A_429 : i32 to vector<16xi32>
      %ge3A_431 = arith.cmpi uge, %add3A_425, %ge3A_430 : vector<16xi32>
      %or3A_432 = arith.ori %lt3A_428, %ge3A_431 : vector<16xi1>
      %sub3A_433 = arith.constant 2147483647 : i32
      %sub3A_434 = vector.broadcast %sub3A_433 : i32 to vector<16xi32>
      %sub3A_435 = arith.subi %add3A_425, %sub3A_434 : vector<16xi32>
      %select_n3A_436 = arith.select %or3A_432, %sub3A_435, %add3A_425 : vector<16xi1>, vector<16xi32>
      %and3A_437 = arith.constant 4194176 : i32
      %and3A_438 = vector.broadcast %and3A_437 : i32 to vector<16xi32>
      %and3A_439 = arith.andi %select_n3A_436, %and3A_438 : vector<16xi32>
      %shift_left3A_440 = arith.constant 2 : i32
      %shift_left3A_441 = vector.broadcast %shift_left3A_440 : i32 to vector<16xi32>
      %shift_left3A_442 = arith.shli %and3A_439, %shift_left3A_441 : vector<16xi32>
      %or3A_443 = arith.constant 256 : i32
      %or3A_444 = vector.broadcast %or3A_443 : i32 to vector<16xi32>
      %or3A_445 = arith.ori %shift_left3A_442, %or3A_444 : vector<16xi32>
      %and3A_446 = arith.constant 127 : i32
      %and3A_447 = vector.broadcast %and3A_446 : i32 to vector<16xi32>
      %and3A_448 = arith.andi %select_n3A_436, %and3A_447 : vector<16xi32>
      %or3A_449 = arith.ori %or3A_445, %and3A_448 : vector<16xi32>
      %add3A_450 = arith.constant 8 : i32
      %add3A_451 = arith.addi %select_n3A, %add3A_450 : i32
      %swap3A_452 = arith.index_cast %add3A_451 : i32 to index
      %swap3A_453 = arith.index_cast %mul3A_311 : i32 to index
      %swap3A_454 = tpu.vector_load %arg6[%swap3A_452, %swap3A_453] {strides = array<i32>} : memref<16x128xi32, #tpu.memory_space<vmem>>, vector<16xi32>,
      tpu.vector_store %arg6[%swap3A_452, %swap3A_453], %or3A_449 {strides = array<i32>} : memref<16x128xi32, #tpu.memory_space<vmem>>, vector<16xi32>,
      %mul3A_455 = arith.constant 1000039 : i32
      %mul3A_456 = vector.broadcast %mul3A_455 : i32 to vector<16xi32>
      %mul3A_457 = arith.muli %shift_right_logical3A_275, %mul3A_456 : vector<16xi32>
      %mul3A_458 = arith.constant 1000039 : i32
      %mul3A_459 = vector.broadcast %mul3A_458 : i32 to vector<16xi32>
      %mul3A_460 = arith.muli %and3A_277, %mul3A_459 : vector<16xi32>
      %add3A_461 = arith.constant 100663319 : i32
      %add3A_462 = vector.broadcast %add3A_461 : i32 to vector<16xi32>
      %add3A_463 = arith.addi %mul3A_460, %add3A_462 : vector<16xi32>
      %shift_right_logical3A_464 = arith.constant 21 : i32
      %shift_right_logical3A_465 = vector.broadcast %shift_right_logical3A_464 : i32 to vector<16xi32>
      %shift_right_logical3A_466 = arith.shrui %mul3A_457, %shift_right_logical3A_465 : vector<16xi32>
      %and3A_467 = arith.constant 2097151 : i32
      %and3A_468 = vector.broadcast %and3A_467 : i32 to vector<16xi32>
      %and3A_469 = arith.andi %mul3A_457, %and3A_468 : vector<16xi32>
      %shift_left3A_470 = arith.constant 10 : i32
      %shift_left3A_471 = vector.broadcast %shift_left3A_470 : i32 to vector<16xi32>
      %shift_left3A_472 = arith.shli %and3A_469, %shift_left3A_471 : vector<16xi32>
      %add3A_473 = arith.addi %shift_right_logical3A_466, %shift_left3A_472 : vector<16xi32>
      %add3A_474 = arith.addi %add3A_473, %add3A_463 : vector<16xi32>
      %lt3A_475 = arith.constant 0 : i32
      %lt3A_476 = vector.broadcast %lt3A_475 : i32 to vector<16xi32>
      %lt3A_477 = arith.cmpi ult, %add3A_474, %lt3A_476 : vector<16xi32>
      %ge3A_478 = arith.constant 2147483647 : i32
      %ge3A_479 = vector.broadcast %ge3A_478 : i32 to vector<16xi32>
      %ge3A_480 = arith.cmpi uge, %add3A_474, %ge3A_479 : vector<16xi32>
      %or3A_481 = arith.ori %lt3A_477, %ge3A_480 : vector<16xi1>
      %sub3A_482 = arith.constant 2147483647 : i32
      %sub3A_483 = vector.broadcast %sub3A_482 : i32 to vector<16xi32>
      %sub3A_484 = arith.subi %add3A_474, %sub3A_483 : vector<16xi32>
      %select_n3A_485 = arith.select %or3A_481, %sub3A_484, %add3A_474 : vector<16xi1>, vector<16xi32>
      %and3A_486 = arith.constant 4194176 : i32
      %and3A_487 = vector.broadcast %and3A_486 : i32 to vector<16xi32>
      %and3A_488 = arith.andi %select_n3A_485, %and3A_487 : vector<16xi32>
      %shift_left3A_489 = arith.constant 2 : i32
      %shift_left3A_490 = vector.broadcast %shift_left3A_489 : i32 to vector<16xi32>
      %shift_left3A_491 = arith.shli %and3A_488, %shift_left3A_490 : vector<16xi32>
      %or3A_492 = arith.constant 384 : i32
      %or3A_493 = vector.broadcast %or3A_492 : i32 to vector<16xi32>
      %or3A_494 = arith.ori %shift_left3A_491, %or3A_493 : vector<16xi32>
      %and3A_495 = arith.constant 127 : i32
      %and3A_496 = vector.broadcast %and3A_495 : i32 to vector<16xi32>
      %and3A_497 = arith.andi %select_n3A_485, %and3A_496 : vector<16xi32>
      %or3A_498 = arith.ori %or3A_494, %and3A_497 : vector<16xi32>
      %add3A_499 = arith.constant 12 : i32
      %add3A_500 = arith.addi %select_n3A, %add3A_499 : i32
      %swap3A_501 = arith.index_cast %add3A_500 : i32 to index
      %swap3A_502 = arith.index_cast %mul3A_311 : i32 to index
      %swap3A_503 = tpu.vector_load %arg6[%swap3A_501, %swap3A_502] {strides = array<i32>} : memref<16x128xi32, #tpu.memory_space<vmem>>, vector<16xi32>,
      tpu.vector_store %arg6[%swap3A_501, %swap3A_502], %or3A_498 {strides = array<i32>} : memref<16x128xi32, #tpu.memory_space<vmem>>, vector<16xi32>,
    }
    %dma_start3A = arith.constant 0 : i32
    %dma_start3A_13 = arith.constant 0 : i32
    %dma_start3A_14 = tpu.memref_slice %arg7[%dma_start3A_13] : memref<2048xf32, #tpu.memory_space<vmem>> -> memref<128xf32, #tpu.memory_space<vmem>>
    %dma_start3A_15 = arith.constant 0 : i32
    %dma_start3A_16 = tpu.memref_slice %arg6[%dma_start3A, %dma_start3A_15] : memref<16x128xi32, #tpu.memory_space<vmem>> -> memref<1x128xi32, #tpu.memory_space<vmem>>
    %dma_start3A_17 = tpu.memref_squeeze %dma_start3A_16 : memref<1x128xi32, #tpu.memory_space<vmem>> -> memref<128xi32, #tpu.memory_space<vmem>>
    %dma_start3A_18 = arith.constant 0 : i32
    %dma_start3A_19 = tpu.memref_slice %arg3[%dma_start3A_18] : memref<16777216xf32, #tpu.memory_space<hbm>> -> memref<16777216xf32, #tpu.memory_space<hbm>>
    tpu.enqueue_indirect_dma source(%dma_start3A_19 : memref<16777216xf32, #tpu.memory_space<hbm>>) target(%dma_start3A_14 : memref<128xf32, #tpu.memory_space<vmem>>) offsets(%dma_start3A_17 : memref<128xi32, #tpu.memory_space<vmem>>) semaphore(%arg8 : memref<!tpu.dma_semaphore, #tpu.memory_space<semaphore_mem>>)
    %dma_start3A_20 = arith.constant 1 : i32
    %dma_start3A_21 = arith.constant 128 : i32
    %dma_start3A_22 = tpu.memref_slice %arg7[%dma_start3A_21] : memref<2048xf32, #tpu.memory_space<vmem>> -> memref<128xf32, #tpu.memory_space<vmem>>
    %dma_start3A_23 = arith.constant 0 : i32
    %dma_start3A_24 = tpu.memref_slice %arg6[%dma_start3A_20, %dma_start3A_23] : memref<16x128xi32, #tpu.memory_space<vmem>> -> memref<1x128xi32, #tpu.memory_space<vmem>>
    %dma_start3A_25 = tpu.memref_squeeze %dma_start3A_24 : memref<1x128xi32, #tpu.memory_space<vmem>> -> memref<128xi32, #tpu.memory_space<vmem>>
    %dma_start3A_26 = arith.constant 0 : i32
    %dma_start3A_27 = tpu.memref_slice %arg3[%dma_start3A_26] : memref<16777216xf32, #tpu.memory_space<hbm>> -> memref<16777216xf32, #tpu.memory_space<hbm>>
    tpu.enqueue_indirect_dma source(%dma_start3A_27 : memref<16777216xf32, #tpu.memory_space<hbm>>) target(%dma_start3A_22 : memref<128xf32, #tpu.memory_space<vmem>>) offsets(%dma_start3A_25 : memref<128xi32, #tpu.memory_space<vmem>>) semaphore(%arg8 : memref<!tpu.dma_semaphore, #tpu.memory_space<semaphore_mem>>)
    %dma_start3A_28 = arith.constant 2 : i32
    %dma_start3A_29 = arith.constant 256 : i32
    %dma_start3A_30 = tpu.memref_slice %arg7[%dma_start3A_29] : memref<2048xf32, #tpu.memory_space<vmem>> -> memref<128xf32, #tpu.memory_space<vmem>>
    %dma_start3A_31 = arith.constant 0 : i32
    %dma_start3A_32 = tpu.memref_slice %arg6[%dma_start3A_28, %dma_start3A_31] : memref<16x128xi32, #tpu.memory_space<vmem>> -> memref<1x128xi32, #tpu.memory_space<vmem>>
    %dma_start3A_33 = tpu.memref_squeeze %dma_start3A_32 : memref<1x128xi32, #tpu.memory_space<vmem>> -> memref<128xi32, #tpu.memory_space<vmem>>
    %dma_start3A_34 = arith.constant 0 : i32
    %dma_start3A_35 = tpu.memref_slice %arg3[%dma_start3A_34] : memref<16777216xf32, #tpu.memory_space<hbm>> -> memref<16777216xf32, #tpu.memory_space<hbm>>
    tpu.enqueue_indirect_dma source(%dma_start3A_35 : memref<16777216xf32, #tpu.memory_space<hbm>>) target(%dma_start3A_30 : memref<128xf32, #tpu.memory_space<vmem>>) offsets(%dma_start3A_33 : memref<128xi32, #tpu.memory_space<vmem>>) semaphore(%arg8 : memref<!tpu.dma_semaphore, #tpu.memory_space<semaphore_mem>>)
    %dma_start3A_36 = arith.constant 3 : i32
    %dma_start3A_37 = arith.constant 384 : i32
    %dma_start3A_38 = tpu.memref_slice %arg7[%dma_start3A_37] : memref<2048xf32, #tpu.memory_space<vmem>> -> memref<128xf32, #tpu.memory_space<vmem>>
    %dma_start3A_39 = arith.constant 0 : i32
    %dma_start3A_40 = tpu.memref_slice %arg6[%dma_start3A_36, %dma_start3A_39] : memref<16x128xi32, #tpu.memory_space<vmem>> -> memref<1x128xi32, #tpu.memory_space<vmem>>
    %dma_start3A_41 = tpu.memref_squeeze %dma_start3A_40 : memref<1x128xi32, #tpu.memory_space<vmem>> -> memref<128xi32, #tpu.memory_space<vmem>>
    %dma_start3A_42 = arith.constant 0 : i32
    %dma_start3A_43 = tpu.memref_slice %arg3[%dma_start3A_42] : memref<16777216xf32, #tpu.memory_space<hbm>> -> memref<16777216xf32, #tpu.memory_space<hbm>>
    tpu.enqueue_indirect_dma source(%dma_start3A_43 : memref<16777216xf32, #tpu.memory_space<hbm>>) target(%dma_start3A_38 : memref<128xf32, #tpu.memory_space<vmem>>) offsets(%dma_start3A_41 : memref<128xi32, #tpu.memory_space<vmem>>) semaphore(%arg8 : memref<!tpu.dma_semaphore, #tpu.memory_space<semaphore_mem>>)
    %dma_start3A_44 = arith.constant 4 : i32
    %dma_start3A_45 = arith.constant 512 : i32
    %dma_start3A_46 = tpu.memref_slice %arg7[%dma_start3A_45] : memref<2048xf32, #tpu.memory_space<vmem>> -> memref<128xf32, #tpu.memory_space<vmem>>
    %dma_start3A_47 = arith.constant 0 : i32
    %dma_start3A_48 = tpu.memref_slice %arg6[%dma_start3A_44, %dma_start3A_47] : memref<16x128xi32, #tpu.memory_space<vmem>> -> memref<1x128xi32, #tpu.memory_space<vmem>>
    %dma_start3A_49 = tpu.memref_squeeze %dma_start3A_48 : memref<1x128xi32, #tpu.memory_space<vmem>> -> memref<128xi32, #tpu.memory_space<vmem>>
    %dma_start3A_50 = arith.constant 0 : i32
    %dma_start3A_51 = tpu.memref_slice %arg3[%dma_start3A_50] : memref<16777216xf32, #tpu.memory_space<hbm>> -> memref<16777216xf32, #tpu.memory_space<hbm>>
    tpu.enqueue_indirect_dma source(%dma_start3A_51 : memref<16777216xf32, #tpu.memory_space<hbm>>) target(%dma_start3A_46 : memref<128xf32, #tpu.memory_space<vmem>>) offsets(%dma_start3A_49 : memref<128xi32, #tpu.memory_space<vmem>>) semaphore(%arg8 : memref<!tpu.dma_semaphore, #tpu.memory_space<semaphore_mem>>)
    %dma_start3A_52 = arith.constant 5 : i32
    %dma_start3A_53 = arith.constant 640 : i32
    %dma_start3A_54 = tpu.memref_slice %arg7[%dma_start3A_53] : memref<2048xf32, #tpu.memory_space<vmem>> -> memref<128xf32, #tpu.memory_space<vmem>>
    %dma_start3A_55 = arith.constant 0 : i32
    %dma_start3A_56 = tpu.memref_slice %arg6[%dma_start3A_52, %dma_start3A_55] : memref<16x128xi32, #tpu.memory_space<vmem>> -> memref<1x128xi32, #tpu.memory_space<vmem>>
    %dma_start3A_57 = tpu.memref_squeeze %dma_start3A_56 : memref<1x128xi32, #tpu.memory_space<vmem>> -> memref<128xi32, #tpu.memory_space<vmem>>
    %dma_start3A_58 = arith.constant 0 : i32
    %dma_start3A_59 = tpu.memref_slice %arg3[%dma_start3A_58] : memref<16777216xf32, #tpu.memory_space<hbm>> -> memref<16777216xf32, #tpu.memory_space<hbm>>
    tpu.enqueue_indirect_dma source(%dma_start3A_59 : memref<16777216xf32, #tpu.memory_space<hbm>>) target(%dma_start3A_54 : memref<128xf32, #tpu.memory_space<vmem>>) offsets(%dma_start3A_57 : memref<128xi32, #tpu.memory_space<vmem>>) semaphore(%arg8 : memref<!tpu.dma_semaphore, #tpu.memory_space<semaphore_mem>>)
    %dma_start3A_60 = arith.constant 6 : i32
    %dma_start3A_61 = arith.constant 768 : i32
    %dma_start3A_62 = tpu.memref_slice %arg7[%dma_start3A_61] : memref<2048xf32, #tpu.memory_space<vmem>> -> memref<128xf32, #tpu.memory_space<vmem>>
    %dma_start3A_63 = arith.constant 0 : i32
    %dma_start3A_64 = tpu.memref_slice %arg6[%dma_start3A_60, %dma_start3A_63] : memref<16x128xi32, #tpu.memory_space<vmem>> -> memref<1x128xi32, #tpu.memory_space<vmem>>
    %dma_start3A_65 = tpu.memref_squeeze %dma_start3A_64 : memref<1x128xi32, #tpu.memory_space<vmem>> -> memref<128xi32, #tpu.memory_space<vmem>>
    %dma_start3A_66 = arith.constant 0 : i32
    %dma_start3A_67 = tpu.memref_slice %arg3[%dma_start3A_66] : memref<16777216xf32, #tpu.memory_space<hbm>> -> memref<16777216xf32, #tpu.memory_space<hbm>>
    tpu.enqueue_indirect_dma source(%dma_start3A_67 : memref<16777216xf32, #tpu.memory_space<hbm>>) target(%dma_start3A_62 : memref<128xf32, #tpu.memory_space<vmem>>) offsets(%dma_start3A_65 : memref<128xi32, #tpu.memory_space<vmem>>) semaphore(%arg8 : memref<!tpu.dma_semaphore, #tpu.memory_space<semaphore_mem>>)
    %dma_start3A_68 = arith.constant 7 : i32
    %dma_start3A_69 = arith.constant 896 : i32
    %dma_start3A_70 = tpu.memref_slice %arg7[%dma_start3A_69] : memref<2048xf32, #tpu.memory_space<vmem>> -> memref<128xf32, #tpu.memory_space<vmem>>
    %dma_start3A_71 = arith.constant 0 : i32
    %dma_start3A_72 = tpu.memref_slice %arg6[%dma_start3A_68, %dma_start3A_71] : memref<16x128xi32, #tpu.memory_space<vmem>> -> memref<1x128xi32, #tpu.memory_space<vmem>>
    %dma_start3A_73 = tpu.memref_squeeze %dma_start3A_72 : memref<1x128xi32, #tpu.memory_space<vmem>> -> memref<128xi32, #tpu.memory_space<vmem>>
    %dma_start3A_74 = arith.constant 0 : i32
    %dma_start3A_75 = tpu.memref_slice %arg3[%dma_start3A_74] : memref<16777216xf32, #tpu.memory_space<hbm>> -> memref<16777216xf32, #tpu.memory_space<hbm>>
    tpu.enqueue_indirect_dma source(%dma_start3A_75 : memref<16777216xf32, #tpu.memory_space<hbm>>) target(%dma_start3A_70 : memref<128xf32, #tpu.memory_space<vmem>>) offsets(%dma_start3A_73 : memref<128xi32, #tpu.memory_space<vmem>>) semaphore(%arg8 : memref<!tpu.dma_semaphore, #tpu.memory_space<semaphore_mem>>)
    %dma_start3A_76 = arith.constant 8 : i32
    %dma_start3A_77 = arith.constant 1024 : i32
    %dma_start3A_78 = tpu.memref_slice %arg7[%dma_start3A_77] : memref<2048xf32, #tpu.memory_space<vmem>> -> memref<128xf32, #tpu.memory_space<vmem>>
    %dma_start3A_79 = arith.constant 0 : i32
    %dma_start3A_80 = tpu.memref_slice %arg6[%dma_start3A_76, %dma_start3A_79] : memref<16x128xi32, #tpu.memory_space<vmem>> -> memref<1x128xi32, #tpu.memory_space<vmem>>
    %dma_start3A_81 = tpu.memref_squeeze %dma_start3A_80 : memref<1x128xi32, #tpu.memory_space<vmem>> -> memref<128xi32, #tpu.memory_space<vmem>>
    %dma_start3A_82 = arith.constant 0 : i32
    %dma_start3A_83 = tpu.memref_slice %arg3[%dma_start3A_82] : memref<16777216xf32, #tpu.memory_space<hbm>> -> memref<16777216xf32, #tpu.memory_space<hbm>>
    tpu.enqueue_indirect_dma source(%dma_start3A_83 : memref<16777216xf32, #tpu.memory_space<hbm>>) target(%dma_start3A_78 : memref<128xf32, #tpu.memory_space<vmem>>) offsets(%dma_start3A_81 : memref<128xi32, #tpu.memory_space<vmem>>) semaphore(%arg8 : memref<!tpu.dma_semaphore, #tpu.memory_space<semaphore_mem>>)
    %dma_start3A_84 = arith.constant 9 : i32
    %dma_start3A_85 = arith.constant 1152 : i32
    %dma_start3A_86 = tpu.memref_slice %arg7[%dma_start3A_85] : memref<2048xf32, #tpu.memory_space<vmem>> -> memref<128xf32, #tpu.memory_space<vmem>>
    %dma_start3A_87 = arith.constant 0 : i32
    %dma_start3A_88 = tpu.memref_slice %arg6[%dma_start3A_84, %dma_start3A_87] : memref<16x128xi32, #tpu.memory_space<vmem>> -> memref<1x128xi32, #tpu.memory_space<vmem>>
    %dma_start3A_89 = tpu.memref_squeeze %dma_start3A_88 : memref<1x128xi32, #tpu.memory_space<vmem>> -> memref<128xi32, #tpu.memory_space<vmem>>
    %dma_start3A_90 = arith.constant 0 : i32
    %dma_start3A_91 = tpu.memref_slice %arg3[%dma_start3A_90] : memref<16777216xf32, #tpu.memory_space<hbm>> -> memref<16777216xf32, #tpu.memory_space<hbm>>
    tpu.enqueue_indirect_dma source(%dma_start3A_91 : memref<16777216xf32, #tpu.memory_space<hbm>>) target(%dma_start3A_86 : memref<128xf32, #tpu.memory_space<vmem>>) offsets(%dma_start3A_89 : memref<128xi32, #tpu.memory_space<vmem>>) semaphore(%arg8 : memref<!tpu.dma_semaphore, #tpu.memory_space<semaphore_mem>>)
    %dma_start3A_92 = arith.constant 10 : i32
    %dma_start3A_93 = arith.constant 1280 : i32
    %dma_start3A_94 = tpu.memref_slice %arg7[%dma_start3A_93] : memref<2048xf32, #tpu.memory_space<vmem>> -> memref<128xf32, #tpu.memory_space<vmem>>
    %dma_start3A_95 = arith.constant 0 : i32
    %dma_start3A_96 = tpu.memref_slice %arg6[%dma_start3A_92, %dma_start3A_95] : memref<16x128xi32, #tpu.memory_space<vmem>> -> memref<1x128xi32, #tpu.memory_space<vmem>>
    %dma_start3A_97 = tpu.memref_squeeze %dma_start3A_96 : memref<1x128xi32, #tpu.memory_space<vmem>> -> memref<128xi32, #tpu.memory_space<vmem>>
    %dma_start3A_98 = arith.constant 0 : i32
    %dma_start3A_99 = tpu.memref_slice %arg3[%dma_start3A_98] : memref<16777216xf32, #tpu.memory_space<hbm>> -> memref<16777216xf32, #tpu.memory_space<hbm>>
    tpu.enqueue_indirect_dma source(%dma_start3A_99 : memref<16777216xf32, #tpu.memory_space<hbm>>) target(%dma_start3A_94 : memref<128xf32, #tpu.memory_space<vmem>>) offsets(%dma_start3A_97 : memref<128xi32, #tpu.memory_space<vmem>>) semaphore(%arg8 : memref<!tpu.dma_semaphore, #tpu.memory_space<semaphore_mem>>)
    %dma_start3A_100 = arith.constant 11 : i32
    %dma_start3A_101 = arith.constant 1408 : i32
    %dma_start3A_102 = tpu.memref_slice %arg7[%dma_start3A_101] : memref<2048xf32, #tpu.memory_space<vmem>> -> memref<128xf32, #tpu.memory_space<vmem>>
    %dma_start3A_103 = arith.constant 0 : i32
    %dma_start3A_104 = tpu.memref_slice %arg6[%dma_start3A_100, %dma_start3A_103] : memref<16x128xi32, #tpu.memory_space<vmem>> -> memref<1x128xi32, #tpu.memory_space<vmem>>
    %dma_start3A_105 = tpu.memref_squeeze %dma_start3A_104 : memref<1x128xi32, #tpu.memory_space<vmem>> -> memref<128xi32, #tpu.memory_space<vmem>>
    %dma_start3A_106 = arith.constant 0 : i32
    %dma_start3A_107 = tpu.memref_slice %arg3[%dma_start3A_106] : memref<16777216xf32, #tpu.memory_space<hbm>> -> memref<16777216xf32, #tpu.memory_space<hbm>>
    tpu.enqueue_indirect_dma source(%dma_start3A_107 : memref<16777216xf32, #tpu.memory_space<hbm>>) target(%dma_start3A_102 : memref<128xf32, #tpu.memory_space<vmem>>) offsets(%dma_start3A_105 : memref<128xi32, #tpu.memory_space<vmem>>) semaphore(%arg8 : memref<!tpu.dma_semaphore, #tpu.memory_space<semaphore_mem>>)
    %dma_start3A_108 = arith.constant 12 : i32
    %dma_start3A_109 = arith.constant 1536 : i32
    %dma_start3A_110 = tpu.memref_slice %arg7[%dma_start3A_109] : memref<2048xf32, #tpu.memory_space<vmem>> -> memref<128xf32, #tpu.memory_space<vmem>>
    %dma_start3A_111 = arith.constant 0 : i32
    %dma_start3A_112 = tpu.memref_slice %arg6[%dma_start3A_108, %dma_start3A_111] : memref<16x128xi32, #tpu.memory_space<vmem>> -> memref<1x128xi32, #tpu.memory_space<vmem>>
    %dma_start3A_113 = tpu.memref_squeeze %dma_start3A_112 : memref<1x128xi32, #tpu.memory_space<vmem>> -> memref<128xi32, #tpu.memory_space<vmem>>
    %dma_start3A_114 = arith.constant 0 : i32
    %dma_start3A_115 = tpu.memref_slice %arg3[%dma_start3A_114] : memref<16777216xf32, #tpu.memory_space<hbm>> -> memref<16777216xf32, #tpu.memory_space<hbm>>
    tpu.enqueue_indirect_dma source(%dma_start3A_115 : memref<16777216xf32, #tpu.memory_space<hbm>>) target(%dma_start3A_110 : memref<128xf32, #tpu.memory_space<vmem>>) offsets(%dma_start3A_113 : memref<128xi32, #tpu.memory_space<vmem>>) semaphore(%arg8 : memref<!tpu.dma_semaphore, #tpu.memory_space<semaphore_mem>>)
    %dma_start3A_116 = arith.constant 13 : i32
    %dma_start3A_117 = arith.constant 1664 : i32
    %dma_start3A_118 = tpu.memref_slice %arg7[%dma_start3A_117] : memref<2048xf32, #tpu.memory_space<vmem>> -> memref<128xf32, #tpu.memory_space<vmem>>
    %dma_start3A_119 = arith.constant 0 : i32
    %dma_start3A_120 = tpu.memref_slice %arg6[%dma_start3A_116, %dma_start3A_119] : memref<16x128xi32, #tpu.memory_space<vmem>> -> memref<1x128xi32, #tpu.memory_space<vmem>>
    %dma_start3A_121 = tpu.memref_squeeze %dma_start3A_120 : memref<1x128xi32, #tpu.memory_space<vmem>> -> memref<128xi32, #tpu.memory_space<vmem>>
    %dma_start3A_122 = arith.constant 0 : i32
    %dma_start3A_123 = tpu.memref_slice %arg3[%dma_start3A_122] : memref<16777216xf32, #tpu.memory_space<hbm>> -> memref<16777216xf32, #tpu.memory_space<hbm>>
    tpu.enqueue_indirect_dma source(%dma_start3A_123 : memref<16777216xf32, #tpu.memory_space<hbm>>) target(%dma_start3A_118 : memref<128xf32, #tpu.memory_space<vmem>>) offsets(%dma_start3A_121 : memref<128xi32, #tpu.memory_space<vmem>>) semaphore(%arg8 : memref<!tpu.dma_semaphore, #tpu.memory_space<semaphore_mem>>)
    %dma_start3A_124 = arith.constant 14 : i32
    %dma_start3A_125 = arith.constant 1792 : i32
    %dma_start3A_126 = tpu.memref_slice %arg7[%dma_start3A_125] : memref<2048xf32, #tpu.memory_space<vmem>> -> memref<128xf32, #tpu.memory_space<vmem>>
    %dma_start3A_127 = arith.constant 0 : i32
    %dma_start3A_128 = tpu.memref_slice %arg6[%dma_start3A_124, %dma_start3A_127] : memref<16x128xi32, #tpu.memory_space<vmem>> -> memref<1x128xi32, #tpu.memory_space<vmem>>
    %dma_start3A_129 = tpu.memref_squeeze %dma_start3A_128 : memref<1x128xi32, #tpu.memory_space<vmem>> -> memref<128xi32, #tpu.memory_space<vmem>>
    %dma_start3A_130 = arith.constant 0 : i32
    %dma_start3A_131 = tpu.memref_slice %arg3[%dma_start3A_130] : memref<16777216xf32, #tpu.memory_space<hbm>> -> memref<16777216xf32, #tpu.memory_space<hbm>>
    tpu.enqueue_indirect_dma source(%dma_start3A_131 : memref<16777216xf32, #tpu.memory_space<hbm>>) target(%dma_start3A_126 : memref<128xf32, #tpu.memory_space<vmem>>) offsets(%dma_start3A_129 : memref<128xi32, #tpu.memory_space<vmem>>) semaphore(%arg8 : memref<!tpu.dma_semaphore, #tpu.memory_space<semaphore_mem>>)
    %dma_start3A_132 = arith.constant 15 : i32
    %dma_start3A_133 = arith.constant 1920 : i32
    %dma_start3A_134 = tpu.memref_slice %arg7[%dma_start3A_133] : memref<2048xf32, #tpu.memory_space<vmem>> -> memref<128xf32, #tpu.memory_space<vmem>>
    %dma_start3A_135 = arith.constant 0 : i32
    %dma_start3A_136 = tpu.memref_slice %arg6[%dma_start3A_132, %dma_start3A_135] : memref<16x128xi32, #tpu.memory_space<vmem>> -> memref<1x128xi32, #tpu.memory_space<vmem>>
    %dma_start3A_137 = tpu.memref_squeeze %dma_start3A_136 : memref<1x128xi32, #tpu.memory_space<vmem>> -> memref<128xi32, #tpu.memory_space<vmem>>
    %dma_start3A_138 = arith.constant 0 : i32
    %dma_start3A_139 = tpu.memref_slice %arg3[%dma_start3A_138] : memref<16777216xf32, #tpu.memory_space<hbm>> -> memref<16777216xf32, #tpu.memory_space<hbm>>
    tpu.enqueue_indirect_dma source(%dma_start3A_139 : memref<16777216xf32, #tpu.memory_space<hbm>>) target(%dma_start3A_134 : memref<128xf32, #tpu.memory_space<vmem>>) offsets(%dma_start3A_137 : memref<128xi32, #tpu.memory_space<vmem>>) semaphore(%arg8 : memref<!tpu.dma_semaphore, #tpu.memory_space<semaphore_mem>>)
    %dma_wait3A = arith.constant 0 : i32
    %dma_wait3A_140 = arith.constant 0 : i32
    %dma_wait3A_141 = tpu.memref_slice %arg7[%dma_wait3A_140] : memref<2048xf32, #tpu.memory_space<vmem>> -> memref<128xf32, #tpu.memory_space<vmem>>
    %dma_wait3A_142 = arith.constant 0 : i32
    %dma_wait3A_143 = tpu.memref_slice %arg6[%dma_wait3A, %dma_wait3A_142] : memref<16x128xi32, #tpu.memory_space<vmem>> -> memref<1x128xi32, #tpu.memory_space<vmem>>
    %dma_wait3A_144 = tpu.memref_squeeze %dma_wait3A_143 : memref<1x128xi32, #tpu.memory_space<vmem>> -> memref<128xi32, #tpu.memory_space<vmem>>
    %dma_wait3A_145 = arith.constant 0 : i32
    %dma_wait3A_146 = tpu.memref_slice %arg3[%dma_wait3A_145] : memref<16777216xf32, #tpu.memory_space<hbm>> -> memref<16777216xf32, #tpu.memory_space<hbm>>
    tpu.wait_indirect_dma semaphore(%arg8 : memref<!tpu.dma_semaphore, #tpu.memory_space<semaphore_mem>>) src(%dma_wait3A_146 : memref<16777216xf32, #tpu.memory_space<hbm>>) dst(%dma_wait3A_141 : memref<128xf32, #tpu.memory_space<vmem>>)
    %dma_wait3A_147 = arith.constant 1 : i32
    %dma_wait3A_148 = arith.constant 128 : i32
    %dma_wait3A_149 = tpu.memref_slice %arg7[%dma_wait3A_148] : memref<2048xf32, #tpu.memory_space<vmem>> -> memref<128xf32, #tpu.memory_space<vmem>>
    %dma_wait3A_150 = arith.constant 0 : i32
    %dma_wait3A_151 = tpu.memref_slice %arg6[%dma_wait3A_147, %dma_wait3A_150] : memref<16x128xi32, #tpu.memory_space<vmem>> -> memref<1x128xi32, #tpu.memory_space<vmem>>
    %dma_wait3A_152 = tpu.memref_squeeze %dma_wait3A_151 : memref<1x128xi32, #tpu.memory_space<vmem>> -> memref<128xi32, #tpu.memory_space<vmem>>
    %dma_wait3A_153 = arith.constant 0 : i32
    %dma_wait3A_154 = tpu.memref_slice %arg3[%dma_wait3A_153] : memref<16777216xf32, #tpu.memory_space<hbm>> -> memref<16777216xf32, #tpu.memory_space<hbm>>
    tpu.wait_indirect_dma semaphore(%arg8 : memref<!tpu.dma_semaphore, #tpu.memory_space<semaphore_mem>>) src(%dma_wait3A_154 : memref<16777216xf32, #tpu.memory_space<hbm>>) dst(%dma_wait3A_149 : memref<128xf32, #tpu.memory_space<vmem>>)
    %dma_wait3A_155 = arith.constant 2 : i32
    %dma_wait3A_156 = arith.constant 256 : i32
    %dma_wait3A_157 = tpu.memref_slice %arg7[%dma_wait3A_156] : memref<2048xf32, #tpu.memory_space<vmem>> -> memref<128xf32, #tpu.memory_space<vmem>>
    %dma_wait3A_158 = arith.constant 0 : i32
    %dma_wait3A_159 = tpu.memref_slice %arg6[%dma_wait3A_155, %dma_wait3A_158] : memref<16x128xi32, #tpu.memory_space<vmem>> -> memref<1x128xi32, #tpu.memory_space<vmem>>
    %dma_wait3A_160 = tpu.memref_squeeze %dma_wait3A_159 : memref<1x128xi32, #tpu.memory_space<vmem>> -> memref<128xi32, #tpu.memory_space<vmem>>
    %dma_wait3A_161 = arith.constant 0 : i32
    %dma_wait3A_162 = tpu.memref_slice %arg3[%dma_wait3A_161] : memref<16777216xf32, #tpu.memory_space<hbm>> -> memref<16777216xf32, #tpu.memory_space<hbm>>
    tpu.wait_indirect_dma semaphore(%arg8 : memref<!tpu.dma_semaphore, #tpu.memory_space<semaphore_mem>>) src(%dma_wait3A_162 : memref<16777216xf32, #tpu.memory_space<hbm>>) dst(%dma_wait3A_157 : memref<128xf32, #tpu.memory_space<vmem>>)
    %dma_wait3A_163 = arith.constant 3 : i32
    %dma_wait3A_164 = arith.constant 384 : i32
    %dma_wait3A_165 = tpu.memref_slice %arg7[%dma_wait3A_164] : memref<2048xf32, #tpu.memory_space<vmem>> -> memref<128xf32, #tpu.memory_space<vmem>>
    %dma_wait3A_166 = arith.constant 0 : i32
    %dma_wait3A_167 = tpu.memref_slice %arg6[%dma_wait3A_163, %dma_wait3A_166] : memref<16x128xi32, #tpu.memory_space<vmem>> -> memref<1x128xi32, #tpu.memory_space<vmem>>
    %dma_wait3A_168 = tpu.memref_squeeze %dma_wait3A_167 : memref<1x128xi32, #tpu.memory_space<vmem>> -> memref<128xi32, #tpu.memory_space<vmem>>
    %dma_wait3A_169 = arith.constant 0 : i32
    %dma_wait3A_170 = tpu.memref_slice %arg3[%dma_wait3A_169] : memref<16777216xf32, #tpu.memory_space<hbm>> -> memref<16777216xf32, #tpu.memory_space<hbm>>
    tpu.wait_indirect_dma semaphore(%arg8 : memref<!tpu.dma_semaphore, #tpu.memory_space<semaphore_mem>>) src(%dma_wait3A_170 : memref<16777216xf32, #tpu.memory_space<hbm>>) dst(%dma_wait3A_165 : memref<128xf32, #tpu.memory_space<vmem>>)
    %dma_wait3A_171 = arith.constant 4 : i32
    %dma_wait3A_172 = arith.constant 512 : i32
    %dma_wait3A_173 = tpu.memref_slice %arg7[%dma_wait3A_172] : memref<2048xf32, #tpu.memory_space<vmem>> -> memref<128xf32, #tpu.memory_space<vmem>>
    %dma_wait3A_174 = arith.constant 0 : i32
    %dma_wait3A_175 = tpu.memref_slice %arg6[%dma_wait3A_171, %dma_wait3A_174] : memref<16x128xi32, #tpu.memory_space<vmem>> -> memref<1x128xi32, #tpu.memory_space<vmem>>
    %dma_wait3A_176 = tpu.memref_squeeze %dma_wait3A_175 : memref<1x128xi32, #tpu.memory_space<vmem>> -> memref<128xi32, #tpu.memory_space<vmem>>
    %dma_wait3A_177 = arith.constant 0 : i32
    %dma_wait3A_178 = tpu.memref_slice %arg3[%dma_wait3A_177] : memref<16777216xf32, #tpu.memory_space<hbm>> -> memref<16777216xf32, #tpu.memory_space<hbm>>
    tpu.wait_indirect_dma semaphore(%arg8 : memref<!tpu.dma_semaphore, #tpu.memory_space<semaphore_mem>>) src(%dma_wait3A_178 : memref<16777216xf32, #tpu.memory_space<hbm>>) dst(%dma_wait3A_173 : memref<128xf32, #tpu.memory_space<vmem>>)
    %dma_wait3A_179 = arith.constant 5 : i32
    %dma_wait3A_180 = arith.constant 640 : i32
    %dma_wait3A_181 = tpu.memref_slice %arg7[%dma_wait3A_180] : memref<2048xf32, #tpu.memory_space<vmem>> -> memref<128xf32, #tpu.memory_space<vmem>>
    %dma_wait3A_182 = arith.constant 0 : i32
    %dma_wait3A_183 = tpu.memref_slice %arg6[%dma_wait3A_179, %dma_wait3A_182] : memref<16x128xi32, #tpu.memory_space<vmem>> -> memref<1x128xi32, #tpu.memory_space<vmem>>
    %dma_wait3A_184 = tpu.memref_squeeze %dma_wait3A_183 : memref<1x128xi32, #tpu.memory_space<vmem>> -> memref<128xi32, #tpu.memory_space<vmem>>
    %dma_wait3A_185 = arith.constant 0 : i32
    %dma_wait3A_186 = tpu.memref_slice %arg3[%dma_wait3A_185] : memref<16777216xf32, #tpu.memory_space<hbm>> -> memref<16777216xf32, #tpu.memory_space<hbm>>
    tpu.wait_indirect_dma semaphore(%arg8 : memref<!tpu.dma_semaphore, #tpu.memory_space<semaphore_mem>>) src(%dma_wait3A_186 : memref<16777216xf32, #tpu.memory_space<hbm>>) dst(%dma_wait3A_181 : memref<128xf32, #tpu.memory_space<vmem>>)
    %dma_wait3A_187 = arith.constant 6 : i32
    %dma_wait3A_188 = arith.constant 768 : i32
    %dma_wait3A_189 = tpu.memref_slice %arg7[%dma_wait3A_188] : memref<2048xf32, #tpu.memory_space<vmem>> -> memref<128xf32, #tpu.memory_space<vmem>>
    %dma_wait3A_190 = arith.constant 0 : i32
    %dma_wait3A_191 = tpu.memref_slice %arg6[%dma_wait3A_187, %dma_wait3A_190] : memref<16x128xi32, #tpu.memory_space<vmem>> -> memref<1x128xi32, #tpu.memory_space<vmem>>
    %dma_wait3A_192 = tpu.memref_squeeze %dma_wait3A_191 : memref<1x128xi32, #tpu.memory_space<vmem>> -> memref<128xi32, #tpu.memory_space<vmem>>
    %dma_wait3A_193 = arith.constant 0 : i32
    %dma_wait3A_194 = tpu.memref_slice %arg3[%dma_wait3A_193] : memref<16777216xf32, #tpu.memory_space<hbm>> -> memref<16777216xf32, #tpu.memory_space<hbm>>
    tpu.wait_indirect_dma semaphore(%arg8 : memref<!tpu.dma_semaphore, #tpu.memory_space<semaphore_mem>>) src(%dma_wait3A_194 : memref<16777216xf32, #tpu.memory_space<hbm>>) dst(%dma_wait3A_189 : memref<128xf32, #tpu.memory_space<vmem>>)
    %dma_wait3A_195 = arith.constant 7 : i32
    %dma_wait3A_196 = arith.constant 896 : i32
    %dma_wait3A_197 = tpu.memref_slice %arg7[%dma_wait3A_196] : memref<2048xf32, #tpu.memory_space<vmem>> -> memref<128xf32, #tpu.memory_space<vmem>>
    %dma_wait3A_198 = arith.constant 0 : i32
    %dma_wait3A_199 = tpu.memref_slice %arg6[%dma_wait3A_195, %dma_wait3A_198] : memref<16x128xi32, #tpu.memory_space<vmem>> -> memref<1x128xi32, #tpu.memory_space<vmem>>
    %dma_wait3A_200 = tpu.memref_squeeze %dma_wait3A_199 : memref<1x128xi32, #tpu.memory_space<vmem>> -> memref<128xi32, #tpu.memory_space<vmem>>
    %dma_wait3A_201 = arith.constant 0 : i32
    %dma_wait3A_202 = tpu.memref_slice %arg3[%dma_wait3A_201] : memref<16777216xf32, #tpu.memory_space<hbm>> -> memref<16777216xf32, #tpu.memory_space<hbm>>
    tpu.wait_indirect_dma semaphore(%arg8 : memref<!tpu.dma_semaphore, #tpu.memory_space<semaphore_mem>>) src(%dma_wait3A_202 : memref<16777216xf32, #tpu.memory_space<hbm>>) dst(%dma_wait3A_197 : memref<128xf32, #tpu.memory_space<vmem>>)
    %dma_wait3A_203 = arith.constant 8 : i32
    %dma_wait3A_204 = arith.constant 1024 : i32
    %dma_wait3A_205 = tpu.memref_slice %arg7[%dma_wait3A_204] : memref<2048xf32, #tpu.memory_space<vmem>> -> memref<128xf32, #tpu.memory_space<vmem>>
    %dma_wait3A_206 = arith.constant 0 : i32
    %dma_wait3A_207 = tpu.memref_slice %arg6[%dma_wait3A_203, %dma_wait3A_206] : memref<16x128xi32, #tpu.memory_space<vmem>> -> memref<1x128xi32, #tpu.memory_space<vmem>>
    %dma_wait3A_208 = tpu.memref_squeeze %dma_wait3A_207 : memref<1x128xi32, #tpu.memory_space<vmem>> -> memref<128xi32, #tpu.memory_space<vmem>>
    %dma_wait3A_209 = arith.constant 0 : i32
    %dma_wait3A_210 = tpu.memref_slice %arg3[%dma_wait3A_209] : memref<16777216xf32, #tpu.memory_space<hbm>> -> memref<16777216xf32, #tpu.memory_space<hbm>>
    tpu.wait_indirect_dma semaphore(%arg8 : memref<!tpu.dma_semaphore, #tpu.memory_space<semaphore_mem>>) src(%dma_wait3A_210 : memref<16777216xf32, #tpu.memory_space<hbm>>) dst(%dma_wait3A_205 : memref<128xf32, #tpu.memory_space<vmem>>)
    %dma_wait3A_211 = arith.constant 9 : i32
    %dma_wait3A_212 = arith.constant 1152 : i32
    %dma_wait3A_213 = tpu.memref_slice %arg7[%dma_wait3A_212] : memref<2048xf32, #tpu.memory_space<vmem>> -> memref<128xf32, #tpu.memory_space<vmem>>
    %dma_wait3A_214 = arith.constant 0 : i32
    %dma_wait3A_215 = tpu.memref_slice %arg6[%dma_wait3A_211, %dma_wait3A_214] : memref<16x128xi32, #tpu.memory_space<vmem>> -> memref<1x128xi32, #tpu.memory_space<vmem>>
    %dma_wait3A_216 = tpu.memref_squeeze %dma_wait3A_215 : memref<1x128xi32, #tpu.memory_space<vmem>> -> memref<128xi32, #tpu.memory_space<vmem>>
    %dma_wait3A_217 = arith.constant 0 : i32
    %dma_wait3A_218 = tpu.memref_slice %arg3[%dma_wait3A_217] : memref<16777216xf32, #tpu.memory_space<hbm>> -> memref<16777216xf32, #tpu.memory_space<hbm>>
    tpu.wait_indirect_dma semaphore(%arg8 : memref<!tpu.dma_semaphore, #tpu.memory_space<semaphore_mem>>) src(%dma_wait3A_218 : memref<16777216xf32, #tpu.memory_space<hbm>>) dst(%dma_wait3A_213 : memref<128xf32, #tpu.memory_space<vmem>>)
    %dma_wait3A_219 = arith.constant 10 : i32
    %dma_wait3A_220 = arith.constant 1280 : i32
    %dma_wait3A_221 = tpu.memref_slice %arg7[%dma_wait3A_220] : memref<2048xf32, #tpu.memory_space<vmem>> -> memref<128xf32, #tpu.memory_space<vmem>>
    %dma_wait3A_222 = arith.constant 0 : i32
    %dma_wait3A_223 = tpu.memref_slice %arg6[%dma_wait3A_219, %dma_wait3A_222] : memref<16x128xi32, #tpu.memory_space<vmem>> -> memref<1x128xi32, #tpu.memory_space<vmem>>
    %dma_wait3A_224 = tpu.memref_squeeze %dma_wait3A_223 : memref<1x128xi32, #tpu.memory_space<vmem>> -> memref<128xi32, #tpu.memory_space<vmem>>
    %dma_wait3A_225 = arith.constant 0 : i32
    %dma_wait3A_226 = tpu.memref_slice %arg3[%dma_wait3A_225] : memref<16777216xf32, #tpu.memory_space<hbm>> -> memref<16777216xf32, #tpu.memory_space<hbm>>
    tpu.wait_indirect_dma semaphore(%arg8 : memref<!tpu.dma_semaphore, #tpu.memory_space<semaphore_mem>>) src(%dma_wait3A_226 : memref<16777216xf32, #tpu.memory_space<hbm>>) dst(%dma_wait3A_221 : memref<128xf32, #tpu.memory_space<vmem>>)
    %dma_wait3A_227 = arith.constant 11 : i32
    %dma_wait3A_228 = arith.constant 1408 : i32
    %dma_wait3A_229 = tpu.memref_slice %arg7[%dma_wait3A_228] : memref<2048xf32, #tpu.memory_space<vmem>> -> memref<128xf32, #tpu.memory_space<vmem>>
    %dma_wait3A_230 = arith.constant 0 : i32
    %dma_wait3A_231 = tpu.memref_slice %arg6[%dma_wait3A_227, %dma_wait3A_230] : memref<16x128xi32, #tpu.memory_space<vmem>> -> memref<1x128xi32, #tpu.memory_space<vmem>>
    %dma_wait3A_232 = tpu.memref_squeeze %dma_wait3A_231 : memref<1x128xi32, #tpu.memory_space<vmem>> -> memref<128xi32, #tpu.memory_space<vmem>>
    %dma_wait3A_233 = arith.constant 0 : i32
    %dma_wait3A_234 = tpu.memref_slice %arg3[%dma_wait3A_233] : memref<16777216xf32, #tpu.memory_space<hbm>> -> memref<16777216xf32, #tpu.memory_space<hbm>>
    tpu.wait_indirect_dma semaphore(%arg8 : memref<!tpu.dma_semaphore, #tpu.memory_space<semaphore_mem>>) src(%dma_wait3A_234 : memref<16777216xf32, #tpu.memory_space<hbm>>) dst(%dma_wait3A_229 : memref<128xf32, #tpu.memory_space<vmem>>)
    %dma_wait3A_235 = arith.constant 12 : i32
    %dma_wait3A_236 = arith.constant 1536 : i32
    %dma_wait3A_237 = tpu.memref_slice %arg7[%dma_wait3A_236] : memref<2048xf32, #tpu.memory_space<vmem>> -> memref<128xf32, #tpu.memory_space<vmem>>
    %dma_wait3A_238 = arith.constant 0 : i32
    %dma_wait3A_239 = tpu.memref_slice %arg6[%dma_wait3A_235, %dma_wait3A_238] : memref<16x128xi32, #tpu.memory_space<vmem>> -> memref<1x128xi32, #tpu.memory_space<vmem>>
    %dma_wait3A_240 = tpu.memref_squeeze %dma_wait3A_239 : memref<1x128xi32, #tpu.memory_space<vmem>> -> memref<128xi32, #tpu.memory_space<vmem>>
    %dma_wait3A_241 = arith.constant 0 : i32
    %dma_wait3A_242 = tpu.memref_slice %arg3[%dma_wait3A_241] : memref<16777216xf32, #tpu.memory_space<hbm>> -> memref<16777216xf32, #tpu.memory_space<hbm>>
    tpu.wait_indirect_dma semaphore(%arg8 : memref<!tpu.dma_semaphore, #tpu.memory_space<semaphore_mem>>) src(%dma_wait3A_242 : memref<16777216xf32, #tpu.memory_space<hbm>>) dst(%dma_wait3A_237 : memref<128xf32, #tpu.memory_space<vmem>>)
    %dma_wait3A_243 = arith.constant 13 : i32
    %dma_wait3A_244 = arith.constant 1664 : i32
    %dma_wait3A_245 = tpu.memref_slice %arg7[%dma_wait3A_244] : memref<2048xf32, #tpu.memory_space<vmem>> -> memref<128xf32, #tpu.memory_space<vmem>>
    %dma_wait3A_246 = arith.constant 0 : i32
    %dma_wait3A_247 = tpu.memref_slice %arg6[%dma_wait3A_243, %dma_wait3A_246] : memref<16x128xi32, #tpu.memory_space<vmem>> -> memref<1x128xi32, #tpu.memory_space<vmem>>
    %dma_wait3A_248 = tpu.memref_squeeze %dma_wait3A_247 : memref<1x128xi32, #tpu.memory_space<vmem>> -> memref<128xi32, #tpu.memory_space<vmem>>
    %dma_wait3A_249 = arith.constant 0 : i32
    %dma_wait3A_250 = tpu.memref_slice %arg3[%dma_wait3A_249] : memref<16777216xf32, #tpu.memory_space<hbm>> -> memref<16777216xf32, #tpu.memory_space<hbm>>
    tpu.wait_indirect_dma semaphore(%arg8 : memref<!tpu.dma_semaphore, #tpu.memory_space<semaphore_mem>>) src(%dma_wait3A_250 : memref<16777216xf32, #tpu.memory_space<hbm>>) dst(%dma_wait3A_245 : memref<128xf32, #tpu.memory_space<vmem>>)
    %dma_wait3A_251 = arith.constant 14 : i32
    %dma_wait3A_252 = arith.constant 1792 : i32
    %dma_wait3A_253 = tpu.memref_slice %arg7[%dma_wait3A_252] : memref<2048xf32, #tpu.memory_space<vmem>> -> memref<128xf32, #tpu.memory_space<vmem>>
    %dma_wait3A_254 = arith.constant 0 : i32
    %dma_wait3A_255 = tpu.memref_slice %arg6[%dma_wait3A_251, %dma_wait3A_254] : memref<16x128xi32, #tpu.memory_space<vmem>> -> memref<1x128xi32, #tpu.memory_space<vmem>>
    %dma_wait3A_256 = tpu.memref_squeeze %dma_wait3A_255 : memref<1x128xi32, #tpu.memory_space<vmem>> -> memref<128xi32, #tpu.memory_space<vmem>>
    %dma_wait3A_257 = arith.constant 0 : i32
    %dma_wait3A_258 = tpu.memref_slice %arg3[%dma_wait3A_257] : memref<16777216xf32, #tpu.memory_space<hbm>> -> memref<16777216xf32, #tpu.memory_space<hbm>>
    tpu.wait_indirect_dma semaphore(%arg8 : memref<!tpu.dma_semaphore, #tpu.memory_space<semaphore_mem>>) src(%dma_wait3A_258 : memref<16777216xf32, #tpu.memory_space<hbm>>) dst(%dma_wait3A_253 : memref<128xf32, #tpu.memory_space<vmem>>)
    %dma_wait3A_259 = arith.constant 15 : i32
    %dma_wait3A_260 = arith.constant 1920 : i32
    %dma_wait3A_261 = tpu.memref_slice %arg7[%dma_wait3A_260] : memref<2048xf32, #tpu.memory_space<vmem>> -> memref<128xf32, #tpu.memory_space<vmem>>
    %dma_wait3A_262 = arith.constant 0 : i32
    %dma_wait3A_263 = tpu.memref_slice %arg6[%dma_wait3A_259, %dma_wait3A_262] : memref<16x128xi32, #tpu.memory_space<vmem>> -> memref<1x128xi32, #tpu.memory_space<vmem>>
    %dma_wait3A_264 = tpu.memref_squeeze %dma_wait3A_263 : memref<1x128xi32, #tpu.memory_space<vmem>> -> memref<128xi32, #tpu.memory_space<vmem>>
    %dma_wait3A_265 = arith.constant 0 : i32
    %dma_wait3A_266 = tpu.memref_slice %arg3[%dma_wait3A_265] : memref<16777216xf32, #tpu.memory_space<hbm>> -> memref<16777216xf32, #tpu.memory_space<hbm>>
    tpu.wait_indirect_dma semaphore(%arg8 : memref<!tpu.dma_semaphore, #tpu.memory_space<semaphore_mem>>) src(%dma_wait3A_266 : memref<16777216xf32, #tpu.memory_space<hbm>>) dst(%dma_wait3A_261 : memref<128xf32, #tpu.memory_space<vmem>>)
    %run_scoped3A = arith.constant 0 : i32
    "tpu.region"() ({
      %run_scoped3A_270 = tpu.sem_alloc : memref<!tpu.dma_semaphore, #tpu.memory_space<semaphore_mem>>
      %dma_start3A_271 = arith.constant 0 : i32
      %dma_start3A_272 = tpu.memref_slice %arg7[%dma_start3A_271] : memref<2048xf32, #tpu.memory_space<vmem>> -> memref<512xf32, #tpu.memory_space<vmem>>
      %dma_start3A_273 = tpu.memref_slice %arg4[%run_scoped3A, %mul3A_2] : memref<4x16384xf32, #tpu.memory_space<hbm>> -> memref<1x512xf32, #tpu.memory_space<hbm>>
      %dma_start3A_274 = tpu.memref_squeeze %dma_start3A_273 : memref<1x512xf32, #tpu.memory_space<hbm>> -> memref<512xf32, #tpu.memory_space<hbm>>
      %dma_start3A_275 = tpu.memref_slice %arg4[%run_scoped3A, %mul3A_2] : memref<4x16384xf32, #tpu.memory_space<hbm>> -> memref<1x512xf32, #tpu.memory_space<hbm>>
      %dma_start3A_276 = tpu.memref_squeeze %dma_start3A_275 : memref<1x512xf32, #tpu.memory_space<hbm>> -> memref<512xf32, #tpu.memory_space<hbm>>
      %dma_start3A_277 = arith.constant 0 : i32
      %dma_start3A_278 = tpu.memref_slice %arg7[%dma_start3A_277] : memref<2048xf32, #tpu.memory_space<vmem>> -> memref<512xf32, #tpu.memory_space<vmem>>
      tpu.enqueue_dma source(%dma_start3A_278 : memref<512xf32, #tpu.memory_space<vmem>>) target(%dma_start3A_276 : memref<512xf32, #tpu.memory_space<hbm>>) target_semaphore(%run_scoped3A_270 : memref<!tpu.dma_semaphore, #tpu.memory_space<semaphore_mem>>)
      %dma_wait3A_279 = arith.constant 0 : i32
      %dma_wait3A_280 = tpu.memref_slice %arg7[%dma_wait3A_279] : memref<2048xf32, #tpu.memory_space<vmem>> -> memref<512xf32, #tpu.memory_space<vmem>>
      %dma_wait3A_281 = tpu.memref_slice %arg4[%run_scoped3A, %mul3A_2] : memref<4x16384xf32, #tpu.memory_space<hbm>> -> memref<1x512xf32, #tpu.memory_space<hbm>>
      %dma_wait3A_282 = tpu.memref_squeeze %dma_wait3A_281 : memref<1x512xf32, #tpu.memory_space<hbm>> -> memref<512xf32, #tpu.memory_space<hbm>>
      %dma_wait3A_283 = tpu.memref_slice %arg4[%run_scoped3A, %mul3A_2] : memref<4x16384xf32, #tpu.memory_space<hbm>> -> memref<1x512xf32, #tpu.memory_space<hbm>>
      %dma_wait3A_284 = tpu.memref_squeeze %dma_wait3A_283 : memref<1x512xf32, #tpu.memory_space<hbm>> -> memref<512xf32, #tpu.memory_space<hbm>>
      %dma_wait3A_285 = arith.constant 0 : i32
      %dma_wait3A_286 = tpu.memref_slice %arg7[%dma_wait3A_285] : memref<2048xf32, #tpu.memory_space<vmem>> -> memref<512xf32, #tpu.memory_space<vmem>>
      tpu.wait_dma2 semaphore(%run_scoped3A_270 : memref<!tpu.dma_semaphore, #tpu.memory_space<semaphore_mem>>) src(%dma_wait3A_286 : memref<512xf32, #tpu.memory_space<vmem>>) dst(%dma_wait3A_284 : memref<512xf32, #tpu.memory_space<hbm>>)
      tpu.yield
    }) : () -> ()
    %run_scoped3A_267 = arith.constant 1 : i32
    "tpu.region"() ({
      %run_scoped3A_270 = tpu.sem_alloc : memref<!tpu.dma_semaphore, #tpu.memory_space<semaphore_mem>>
      %dma_start3A_271 = arith.constant 512 : i32
      %dma_start3A_272 = tpu.memref_slice %arg7[%dma_start3A_271] : memref<2048xf32, #tpu.memory_space<vmem>> -> memref<512xf32, #tpu.memory_space<vmem>>
      %dma_start3A_273 = tpu.memref_slice %arg4[%run_scoped3A_267, %mul3A_2] : memref<4x16384xf32, #tpu.memory_space<hbm>> -> memref<1x512xf32, #tpu.memory_space<hbm>>
      %dma_start3A_274 = tpu.memref_squeeze %dma_start3A_273 : memref<1x512xf32, #tpu.memory_space<hbm>> -> memref<512xf32, #tpu.memory_space<hbm>>
      %dma_start3A_275 = tpu.memref_slice %arg4[%run_scoped3A_267, %mul3A_2] : memref<4x16384xf32, #tpu.memory_space<hbm>> -> memref<1x512xf32, #tpu.memory_space<hbm>>
      %dma_start3A_276 = tpu.memref_squeeze %dma_start3A_275 : memref<1x512xf32, #tpu.memory_space<hbm>> -> memref<512xf32, #tpu.memory_space<hbm>>
      %dma_start3A_277 = arith.constant 512 : i32
      %dma_start3A_278 = tpu.memref_slice %arg7[%dma_start3A_277] : memref<2048xf32, #tpu.memory_space<vmem>> -> memref<512xf32, #tpu.memory_space<vmem>>
      tpu.enqueue_dma source(%dma_start3A_278 : memref<512xf32, #tpu.memory_space<vmem>>) target(%dma_start3A_276 : memref<512xf32, #tpu.memory_space<hbm>>) target_semaphore(%run_scoped3A_270 : memref<!tpu.dma_semaphore, #tpu.memory_space<semaphore_mem>>)
      %dma_wait3A_279 = arith.constant 512 : i32
      %dma_wait3A_280 = tpu.memref_slice %arg7[%dma_wait3A_279] : memref<2048xf32, #tpu.memory_space<vmem>> -> memref<512xf32, #tpu.memory_space<vmem>>
      %dma_wait3A_281 = tpu.memref_slice %arg4[%run_scoped3A_267, %mul3A_2] : memref<4x16384xf32, #tpu.memory_space<hbm>> -> memref<1x512xf32, #tpu.memory_space<hbm>>
      %dma_wait3A_282 = tpu.memref_squeeze %dma_wait3A_281 : memref<1x512xf32, #tpu.memory_space<hbm>> -> memref<512xf32, #tpu.memory_space<hbm>>
      %dma_wait3A_283 = tpu.memref_slice %arg4[%run_scoped3A_267, %mul3A_2] : memref<4x16384xf32, #tpu.memory_space<hbm>> -> memref<1x512xf32, #tpu.memory_space<hbm>>
      %dma_wait3A_284 = tpu.memref_squeeze %dma_wait3A_283 : memref<1x512xf32, #tpu.memory_space<hbm>> -> memref<512xf32, #tpu.memory_space<hbm>>
      %dma_wait3A_285 = arith.constant 512 : i32
      %dma_wait3A_286 = tpu.memref_slice %arg7[%dma_wait3A_285] : memref<2048xf32, #tpu.memory_space<vmem>> -> memref<512xf32, #tpu.memory_space<vmem>>
      tpu.wait_dma2 semaphore(%run_scoped3A_270 : memref<!tpu.dma_semaphore, #tpu.memory_space<semaphore_mem>>) src(%dma_wait3A_286 : memref<512xf32, #tpu.memory_space<vmem>>) dst(%dma_wait3A_284 : memref<512xf32, #tpu.memory_space<hbm>>)
      tpu.yield
    }) : () -> ()
    %run_scoped3A_268 = arith.constant 2 : i32
    "tpu.region"() ({
      %run_scoped3A_270 = tpu.sem_alloc : memref<!tpu.dma_semaphore, #tpu.memory_space<semaphore_mem>>
      %dma_start3A_271 = arith.constant 1024 : i32
      %dma_start3A_272 = tpu.memref_slice %arg7[%dma_start3A_271] : memref<2048xf32, #tpu.memory_space<vmem>> -> memref<512xf32, #tpu.memory_space<vmem>>
      %dma_start3A_273 = tpu.memref_slice %arg4[%run_scoped3A_268, %mul3A_2] : memref<4x16384xf32, #tpu.memory_space<hbm>> -> memref<1x512xf32, #tpu.memory_space<hbm>>
      %dma_start3A_274 = tpu.memref_squeeze %dma_start3A_273 : memref<1x512xf32, #tpu.memory_space<hbm>> -> memref<512xf32, #tpu.memory_space<hbm>>
      %dma_start3A_275 = tpu.memref_slice %arg4[%run_scoped3A_268, %mul3A_2] : memref<4x16384xf32, #tpu.memory_space<hbm>> -> memref<1x512xf32, #tpu.memory_space<hbm>>
      %dma_start3A_276 = tpu.memref_squeeze %dma_start3A_275 : memref<1x512xf32, #tpu.memory_space<hbm>> -> memref<512xf32, #tpu.memory_space<hbm>>
      %dma_start3A_277 = arith.constant 1024 : i32
      %dma_start3A_278 = tpu.memref_slice %arg7[%dma_start3A_277] : memref<2048xf32, #tpu.memory_space<vmem>> -> memref<512xf32, #tpu.memory_space<vmem>>
      tpu.enqueue_dma source(%dma_start3A_278 : memref<512xf32, #tpu.memory_space<vmem>>) target(%dma_start3A_276 : memref<512xf32, #tpu.memory_space<hbm>>) target_semaphore(%run_scoped3A_270 : memref<!tpu.dma_semaphore, #tpu.memory_space<semaphore_mem>>)
      %dma_wait3A_279 = arith.constant 1024 : i32
      %dma_wait3A_280 = tpu.memref_slice %arg7[%dma_wait3A_279] : memref<2048xf32, #tpu.memory_space<vmem>> -> memref<512xf32, #tpu.memory_space<vmem>>
      %dma_wait3A_281 = tpu.memref_slice %arg4[%run_scoped3A_268, %mul3A_2] : memref<4x16384xf32, #tpu.memory_space<hbm>> -> memref<1x512xf32, #tpu.memory_space<hbm>>
      %dma_wait3A_282 = tpu.memref_squeeze %dma_wait3A_281 : memref<1x512xf32, #tpu.memory_space<hbm>> -> memref<512xf32, #tpu.memory_space<hbm>>
      %dma_wait3A_283 = tpu.memref_slice %arg4[%run_scoped3A_268, %mul3A_2] : memref<4x16384xf32, #tpu.memory_space<hbm>> -> memref<1x512xf32, #tpu.memory_space<hbm>>
      %dma_wait3A_284 = tpu.memref_squeeze %dma_wait3A_283 : memref<1x512xf32, #tpu.memory_space<hbm>> -> memref<512xf32, #tpu.memory_space<hbm>>
      %dma_wait3A_285 = arith.constant 1024 : i32
      %dma_wait3A_286 = tpu.memref_slice %arg7[%dma_wait3A_285] : memref<2048xf32, #tpu.memory_space<vmem>> -> memref<512xf32, #tpu.memory_space<vmem>>
      tpu.wait_dma2 semaphore(%run_scoped3A_270 : memref<!tpu.dma_semaphore, #tpu.memory_space<semaphore_mem>>) src(%dma_wait3A_286 : memref<512xf32, #tpu.memory_space<vmem>>) dst(%dma_wait3A_284 : memref<512xf32, #tpu.memory_space<hbm>>)
      tpu.yield
    }) : () -> ()
    %run_scoped3A_269 = arith.constant 3 : i32
    "tpu.region"() ({
      %run_scoped3A_270 = tpu.sem_alloc : memref<!tpu.dma_semaphore, #tpu.memory_space<semaphore_mem>>
      %dma_start3A_271 = arith.constant 1536 : i32
      %dma_start3A_272 = tpu.memref_slice %arg7[%dma_start3A_271] : memref<2048xf32, #tpu.memory_space<vmem>> -> memref<512xf32, #tpu.memory_space<vmem>>
      %dma_start3A_273 = tpu.memref_slice %arg4[%run_scoped3A_269, %mul3A_2] : memref<4x16384xf32, #tpu.memory_space<hbm>> -> memref<1x512xf32, #tpu.memory_space<hbm>>
      %dma_start3A_274 = tpu.memref_squeeze %dma_start3A_273 : memref<1x512xf32, #tpu.memory_space<hbm>> -> memref<512xf32, #tpu.memory_space<hbm>>
      %dma_start3A_275 = tpu.memref_slice %arg4[%run_scoped3A_269, %mul3A_2] : memref<4x16384xf32, #tpu.memory_space<hbm>> -> memref<1x512xf32, #tpu.memory_space<hbm>>
      %dma_start3A_276 = tpu.memref_squeeze %dma_start3A_275 : memref<1x512xf32, #tpu.memory_space<hbm>> -> memref<512xf32, #tpu.memory_space<hbm>>
      %dma_start3A_277 = arith.constant 1536 : i32
      %dma_start3A_278 = tpu.memref_slice %arg7[%dma_start3A_277] : memref<2048xf32, #tpu.memory_space<vmem>> -> memref<512xf32, #tpu.memory_space<vmem>>
      tpu.enqueue_dma source(%dma_start3A_278 : memref<512xf32, #tpu.memory_space<vmem>>) target(%dma_start3A_276 : memref<512xf32, #tpu.memory_space<hbm>>) target_semaphore(%run_scoped3A_270 : memref<!tpu.dma_semaphore, #tpu.memory_space<semaphore_mem>>)
      %dma_wait3A_279 = arith.constant 1536 : i32
      %dma_wait3A_280 = tpu.memref_slice %arg7[%dma_wait3A_279] : memref<2048xf32, #tpu.memory_space<vmem>> -> memref<512xf32, #tpu.memory_space<vmem>>
      %dma_wait3A_281 = tpu.memref_slice %arg4[%run_scoped3A_269, %mul3A_2] : memref<4x16384xf32, #tpu.memory_space<hbm>> -> memref<1x512xf32, #tpu.memory_space<hbm>>
      %dma_wait3A_282 = tpu.memref_squeeze %dma_wait3A_281 : memref<1x512xf32, #tpu.memory_space<hbm>> -> memref<512xf32, #tpu.memory_space<hbm>>
      %dma_wait3A_283 = tpu.memref_slice %arg4[%run_scoped3A_269, %mul3A_2] : memref<4x16384xf32, #tpu.memory_space<hbm>> -> memref<1x512xf32, #tpu.memory_space<hbm>>
      %dma_wait3A_284 = tpu.memref_squeeze %dma_wait3A_283 : memref<1x512xf32, #tpu.memory_space<hbm>> -> memref<512xf32, #tpu.memory_space<hbm>>
      %dma_wait3A_285 = arith.constant 1536 : i32
      %dma_wait3A_286 = tpu.memref_slice %arg7[%dma_wait3A_285] : memref<2048xf32, #tpu.memory_space<vmem>> -> memref<512xf32, #tpu.memory_space<vmem>>
      tpu.wait_dma2 semaphore(%run_scoped3A_270 : memref<!tpu.dma_semaphore, #tpu.memory_space<semaphore_mem>>) src(%dma_wait3A_286 : memref<512xf32, #tpu.memory_space<vmem>>) dst(%dma_wait3A_284 : memref<512xf32, #tpu.memory_space<hbm>>)
      tpu.yield
    }) : () -> ()
    return
  }
}

module attributes {stable_mosaic.version = 14 : i64} {
  func.func @_tc_decode(%arg0: memref<4x16384xf32, #tpu.memory_space<vmem>>, %arg1: memref<1x16384xf32, #tpu.memory_space<vmem>>, %arg2: memref<64x6xf32, #tpu.memory_space<vmem>>, %arg3: memref<64x1xf32, #tpu.memory_space<vmem>>, %arg4: memref<2x64xf32, #tpu.memory_space<vmem>>, %arg5: memref<2x1xf32, #tpu.memory_space<vmem>>, %arg6: memref<1x16384xf32, #tpu.memory_space<vmem>>, %arg7: memref<1x16384xf32, #tpu.memory_space<vmem>>, %arg8: memref<1x16384xi32, #tpu.memory_space<vmem>>, %arg9: memref<1x16384xf32, #tpu.memory_space<vmem>>) attributes {dimension_semantics = [], scalar_prefetch = 0 : i64, scratch_operands = 0 : i64, tpu.core_type = #tpu.core_type<tc>} {
    %get3A = arith.constant 0 : index
    %get3A_0 = arith.constant 0 : index
    %get3A_1 = vector.load %arg0[%get3A, %get3A_0] : memref<4x16384xf32, #tpu.memory_space<vmem>>, vector<4x16384xf32>
    %get3A_2 = arith.constant 0 : index
    %get3A_3 = arith.constant 0 : index
    %get3A_4 = vector.load %arg1[%get3A_2, %get3A_3] : memref<1x16384xf32, #tpu.memory_space<vmem>>, vector<1x16384xf32>
    %reduce_min3A = arith.constant dense<0x7F800000> : vector<16384xf32>
    %reduce_min3A_5 = vector.multi_reduction <minimumf>, %get3A_1, %reduce_min3A [0] : vector<4x16384xf32> to vector<16384xf32>
    %broadcast_in_dim3A = vector.shape_cast %reduce_min3A_5 : vector<16384xf32> to vector<1x16384xf32>
    %reduce_sum3A = vector.shape_cast %broadcast_in_dim3A : vector<1x16384xf32> to vector<1x1x16384xf32>
    %reduce_sum3A_6 = arith.constant dense<0.000000e+00> : vector<1xf32>
    %reduce_sum3A_7 = vector.multi_reduction <add>, %reduce_sum3A, %reduce_sum3A_6 [1, 2] : vector<1x1x16384xf32> to vector<1xf32>
    %reduce_sum3A_8 = vector.shape_cast %reduce_sum3A_7 : vector<1xf32> to vector<1x1x1xf32>
    %reduce_sum3A_9 = vector.extract %reduce_sum3A_8[0, 0, 0] : f32 from vector<1x1x1xf32>
    %div3A = arith.constant 1.638400e+04 : f32
    %div3A_10 = arith.divf %reduce_sum3A_9, %div3A : f32
    %gt3A = vector.broadcast %div3A_10 : f32 to vector<1x16384xf32>
    %gt3A_11 = arith.cmpf ogt, %broadcast_in_dim3A, %gt3A : vector<1x16384xf32>
    %convert_element_type3A = arith.extui %gt3A_11 : vector<1x16384xi1> to vector<1x16384xi32>
    %convert_element_type3A_12 = arith.sitofp %convert_element_type3A : vector<1x16384xi32> to vector<1x16384xf32>
    %add3A = arith.constant 9.99999997E-7 : f32
    %add3A_13 = vector.broadcast %add3A : f32 to vector<1x16384xf32>
    %add3A_14 = arith.addf %get3A_4, %add3A_13 : vector<1x16384xf32>
    %div3A_15 = vector.broadcast %add3A_14 : vector<1x16384xf32> to vector<4x16384xf32>
    %div3A_16 = arith.divf %get3A_1, %div3A_15 : vector<4x16384xf32>
    %div3A_17 = arith.divf %broadcast_in_dim3A, %add3A_14 : vector<1x16384xf32>
    %concatenate3A = tpu.concatenate %div3A_16, %div3A_17, %convert_element_type3A_12 in 0 : vector<4x16384xf32>, vector<1x16384xf32>, vector<1x16384xf32> -> vector<6x16384xf32>
    %get3A_18 = arith.constant 0 : index
    %get3A_19 = arith.constant 0 : index
    %get3A_20 = vector.load %arg2[%get3A_18, %get3A_19] : memref<64x6xf32, #tpu.memory_space<vmem>>, vector<64x6xf32>
    %dot_general3A = arith.constant dense<0.000000e+00> : vector<64x16384xf32>
    %dot_general3A_21 = tpu.matmul %get3A_20, %concatenate3A, %dot_general3A {dimension_numbers = #tpu.dot_dimension_numbers<[1], [0], [0], [1], [0, 0, 1, 1], [], []>, transpose_lhs_hint = false} : vector<64x6xf32>, vector<6x16384xf32>, vector<64x16384xf32> -> vector<64x16384xf32>
    %get3A_22 = arith.constant 0 : index
    %get3A_23 = arith.constant 0 : index
    %get3A_24 = vector.load %arg3[%get3A_22, %get3A_23] : memref<64x1xf32, #tpu.memory_space<vmem>>, vector<64x1xf32>
    %add3A_25 = vector.broadcast %get3A_24 : vector<64x1xf32> to vector<64x16384xf32>
    %add3A_26 = arith.addf %dot_general3A_21, %add3A_25 : vector<64x16384xf32>
    %max3A = arith.constant 0.000000e+00 : f32
    %max3A_27 = vector.broadcast %max3A : f32 to vector<64x16384xf32>
    %max3A_28 = arith.maximumf %add3A_26, %max3A_27 : vector<64x16384xf32>
    %get3A_29 = arith.constant 0 : index
    %get3A_30 = arith.constant 0 : index
    %get3A_31 = vector.load %arg4[%get3A_29, %get3A_30] : memref<2x64xf32, #tpu.memory_space<vmem>>, vector<2x64xf32>
    %dot_general3A_32 = arith.constant dense<0.000000e+00> : vector<2x16384xf32>
    %dot_general3A_33 = tpu.matmul %get3A_31, %max3A_28, %dot_general3A_32 {dimension_numbers = #tpu.dot_dimension_numbers<[1], [0], [0], [1], [0, 0, 1, 1], [], []>, transpose_lhs_hint = false} : vector<2x64xf32>, vector<64x16384xf32>, vector<2x16384xf32> -> vector<2x16384xf32>
    %get3A_34 = arith.constant 0 : index
    %get3A_35 = arith.constant 0 : index
    %get3A_36 = vector.load %arg5[%get3A_34, %get3A_35] : memref<2x1xf32, #tpu.memory_space<vmem>>, vector<2x1xf32>
    %add3A_37 = vector.broadcast %get3A_36 : vector<2x1xf32> to vector<2x16384xf32>
    %add3A_38 = arith.addf %dot_general3A_33, %add3A_37 : vector<2x16384xf32>
    %slice3A = vector.extract_strided_slice %add3A_38 {offsets = [0, 0], sizes = [1, 16384], strides = [1, 1]} : vector<2x16384xf32> to vector<1x16384xf32>
    %mul3A = arith.mulf %slice3A, %get3A_4 : vector<1x16384xf32>
    %swap3A = arith.constant 0 : index
    %swap3A_39 = arith.constant 0 : index
    %swap3A_40 = vector.load %arg6[%swap3A, %swap3A_39] : memref<1x16384xf32, #tpu.memory_space<vmem>>, vector<1x16384xf32>
    tpu.vector_store %arg6[%swap3A, %swap3A_39], %mul3A {strides = array<i32>} : memref<1x16384xf32, #tpu.memory_space<vmem>>, vector<1x16384xf32>,
    %swap3A_41 = arith.constant 0 : index
    %swap3A_42 = arith.constant 0 : index
    %swap3A_43 = vector.load %arg7[%swap3A_41, %swap3A_42] : memref<1x16384xf32, #tpu.memory_space<vmem>>, vector<1x16384xf32>
    tpu.vector_store %arg7[%swap3A_41, %swap3A_42], %broadcast_in_dim3A {strides = array<i32>} : memref<1x16384xf32, #tpu.memory_space<vmem>>, vector<1x16384xf32>,
    %swap3A_44 = arith.constant 0 : index
    %swap3A_45 = arith.constant 0 : index
    %swap3A_46 = vector.load %arg8[%swap3A_44, %swap3A_45] : memref<1x16384xi32, #tpu.memory_space<vmem>>, vector<1x16384xi32>
    %swap3A_47 = arith.extui %gt3A_11 : vector<1x16384xi1> to vector<1x16384xi32>
    %swap3A_48 = arith.constant dense<0> : vector<1x16384xi32>
    %swap3A_49 = arith.cmpi ne, %swap3A_46, %swap3A_48 : vector<1x16384xi32>
    tpu.vector_store %arg8[%swap3A_44, %swap3A_45], %swap3A_47 {strides = array<i32>} : memref<1x16384xi32, #tpu.memory_space<vmem>>, vector<1x16384xi32>,
    %slice3A_50 = vector.extract_strided_slice %add3A_38 {offsets = [1, 0], sizes = [1, 16384], strides = [1, 1]} : vector<2x16384xf32> to vector<1x16384xf32>
    %neg3A = arith.constant 0.000000e+00 : f32
    %neg3A_51 = vector.broadcast %neg3A : f32 to vector<1x16384xf32>
    %neg3A_52 = arith.subf %neg3A_51, %slice3A_50 : vector<1x16384xf32>
    %exp3A = math.exp %neg3A_52 : vector<1x16384xf32>
    %add3A_53 = arith.constant 1.000000e+00 : f32
    %add3A_54 = vector.broadcast %add3A_53 : f32 to vector<1x16384xf32>
    %add3A_55 = arith.addf %add3A_54, %exp3A : vector<1x16384xf32>
    %div3A_56 = arith.constant 1.000000e+00 : f32
    %div3A_57 = vector.broadcast %div3A_56 : f32 to vector<1x16384xf32>
    %div3A_58 = arith.divf %div3A_57, %add3A_55 : vector<1x16384xf32>
    %swap3A_59 = arith.constant 0 : index
    %swap3A_60 = arith.constant 0 : index
    %swap3A_61 = vector.load %arg9[%swap3A_59, %swap3A_60] : memref<1x16384xf32, #tpu.memory_space<vmem>>, vector<1x16384xf32>
    tpu.vector_store %arg9[%swap3A_59, %swap3A_60], %div3A_58 {strides = array<i32>} : memref<1x16384xf32, #tpu.memory_space<vmem>>, vector<1x16384xf32>,
    return
  }
}

</mosaic_0001>

<sc_bundles>
// kernel: kernel.4.cloned.1.call-start
scs
__scs_entry_jumppad:
0x0: {  	(pc) =	sbr.rel $0x88, $3  }
0x1: {  	(tag) =	ssettag $0x0;
	lr =	simm.s32 $0x1  }
0x2: {  	[smem:$0x3F9A] =	sst lr;
	_ =	strace $0xD0000000  }
0x3: {  	_ = 	snop  }
0x4: {  	_ = 	snop  }
0x5: {  	_ = 	snop  }
0x6: {  	_ = 	snop  }
0x7: {  	_ = 	snop  }
__scs_overlays_trampoline_lowered:
0x8: {  	[smem:$0x3FA9] =	sst s0  }
0x9: {  	[smem:$0x3FAA] =	sst s1  }
0xa: {  	[smem:$0x3FAB] =	sst s2  }
0xb: {  	[smem:$0x3FAC] =	sst s3  }
0xc: {  	[smem:$0x3FAD] =	sst s4  }
0xd: {  	[smem:$0x3FAE] =	sst s5  }
0xe: {  	[smem:$0x3FAF] =	sst s6  }
0xf: {  	[smem:$0x3FB0] =	sst s7  }
0x10: {  	[smem:$0x3FB1] =	sst s8  }
0x11: {  	[smem:$0x3FB2] =	sst s9;
	s0 =	simm.s32 @!p0 $0x0  }
0x12: {  	s1 =	sld [smem:$0x3F98];
	s0 =	simm.s32 @p0 $0x1  }
0x13: {  	[smem:$0x3FB3] =	sst s0;
	s0 =	simm.s32 @!p1 $0x0  }
0x14: {  	s2 =	sld [smem:$0x3F97];
	s0 =	simm.s32 @p1 $0x1  }
0x15: {  	[smem:$0x3FB4] =	sst s0;
	s0 =	simm.s32 @!p2 $0x0  }
0x16: {  	s3 =	sld [smem:$0x3FDB];
	s0 =	simm.s32 @p2 $0x1  }
0x17: {  	s4 =	simm.s32 $0x1BF5;
	[smem:$0x3FB6] =	sst s0  }
0x18: {  	s0 =	sld [smem:$0x3F99];
	_ =	swait.ge [sflag:s4], $0x0  }
0x19: {  	s7 =	sld [smem:$0x3F9A]  }
0x1a: {  	s8 =	sadd.s32 $0xFFFFE003, lr  }
0x1b: {  	s9 =	sadd.s32 $0xFFFFFEF7, lr;
	s5 =	simm.s32 $0xFFFFFFFF;
	p2 =	slt.u32 s8, $0xFFFFF086  }
0x1c: {  	p1 =	slt.u32 s9, $0xF7A;
	s5 =	simm.s32 @!p2 $0x0  }
0x1d: {  	s5 =	simm.s32 @p1 $0x1;
	p0 =	seq.s32 s7, s2  }
0x1e: {  	s7 =	smul.u32 @!p0 $0xF7A, s2;
	p2 =	seq.s32 @!p0 s5, $0x0  }
0x1f: {  	s9 =	smul.u32 $0xF7A, s1;
	s8 =	simm.s32 @!p0 $0x1BF5;
	p2 =	por !p2, p0  }
0x20: {  	[sflag:s8] =	ssyncset.s32 @!p0 $0xFFFFF086;
	s6 =	sadd.s32 @!p0 s3, s7;
	s7 =	simm.s32 @!p0 $0x108  }
0x21: {  	s3 =	sadd.s32 s3, s9;
	s6 =	sadd.s32 @!p0 $0x88, s6;
	s7 =	simm.s32 @p2 $0x1082  }
0x22: {  	[simem:s7], [sflag:s8] =	dma.local @!p0 [hbm:s6], $0xF7A  }
0x23: {  	s9 =	sor.u32 $0xD0000000, s2;
	s6 =	simm.s32 $0x108;
	_ =	swait.ge @!p0 [sflag:s8], $0x0  }
0x24: {  	s3 =	sadd.s32 $0x88, s3;
	s6 =	simm.s32 @!p1 $0x1082;
	[sflag:s4] =	ssyncset.s32 $0xFFFFF086  }
0x25: {  	[simem:s6], [sflag:s4] =	dma.local [hbm:s3], $0xF7A  }
0x26: {  	[smem:$0x3F9A] =	sst s1;
	(tag) =	ssettag s2;
	_ =	strace s9  }
0x27: {  	s1 =	sld [smem:$0x3FAA]  }
0x28: {  	s2 =	sld [smem:$0x3FAB]  }
0x29: {  	s4 =	sld [smem:$0x3FAD]  }
0x2a: {  	p0 =	seq.s32 s5, $0x0;
	s5 =	sld [smem:$0x3FAE]  }
0x2b: {  	s6 =	sld [smem:$0x3FAF]  }
0x2c: {  	s7 =	sld [smem:$0x3FB0]  }
0x2d: {  	s3 =	simm.s32 $0x108;
	s8 =	sld [smem:$0x3FB1]  }
0x2e: {  	s3 =	simm.s32 @!p0 $0x1082;
	s9 =	sld [smem:$0x3FB2]  }
0x2f: {  	lr =	sadd.s32 s0, s3;
	s0 =	sld [smem:$0x3FA9]  }
0x30: {  	s3 =	sld [smem:$0x3FAC]  }
0x31: {  	[smem:$0x3FB5] =	sst s10  }
0x32: {  	s10 =	sld [smem:$0x3FB3];
	_ =	sdelay $0x3  }
0x33: {  	p0 =	seq.s32 s10, $0x1;
	s10 =	sld [smem:$0x3FB5];
	_ =	sdelay $0x3  }
0x34: {  	[smem:$0x3FB5] =	sst s10  }
0x35: {  	s10 =	sld [smem:$0x3FB4];
	_ =	sdelay $0x3  }
0x36: {  	p1 =	seq.s32 s10, $0x1;
	s10 =	sld [smem:$0x3FB5];
	_ =	sdelay $0x3  }
0x37: {  	[smem:$0x3FB5] =	sst s10  }
0x38: {  	s10 =	sld [smem:$0x3FB6]  }
0x39: {  	_ = 	snop;
	(pc) =	sbr.ind lr, $3  }
0x3a: {  	_ = 	snop  }
0x3b: {  	_ = 	snop  }
0x3c: {  	p2 =	seq.s32 s10, $0x1;
	s10 =	sld [smem:$0x3FB5]  }
0x3d: {  	_ =	shalt  }
0x3e: {  	_ =	shalt  }
0x3f: {  	_ =	shalt  }
0x40: {  	_ =	shalt  }
0x41: {  	_ =	shalt  }
0x42: {  	_ =	shalt  }
0x43: {  	_ =	shalt  }
0x44: {  	_ =	shalt  }
0x45: {  	_ =	shalt  }
0x46: {  	_ =	shalt  }
0x47: {  	_ =	shalt  }
0x48: {  	_ =	shalt  }
0x49: {  	_ =	shalt  }
0x4a: {  	_ =	shalt  }
0x4b: {  	_ =	shalt  }
0x4c: {  	_ =	shalt  }
0x4d: {  	_ =	shalt  }
0x4e: {  	_ =	shalt  }
0x4f: {  	_ =	shalt  }
0x50: {  	_ =	shalt  }
0x51: {  	_ =	shalt  }
0x52: {  	_ =	shalt  }
0x53: {  	_ =	shalt  }
0x54: {  	_ =	shalt  }
0x55: {  	_ =	shalt  }
0x56: {  	_ =	shalt  }
0x57: {  	_ =	shalt  }
0x58: {  	_ =	shalt  }
0x59: {  	_ =	shalt  }
0x5a: {  	_ =	shalt  }
0x5b: {  	_ =	shalt  }
0x5c: {  	_ =	shalt  }
0x5d: {  	_ =	shalt  }
0x5e: {  	_ =	shalt  }
0x5f: {  	_ =	shalt  }
0x60: {  	_ =	shalt  }
0x61: {  	_ =	shalt  }
0x62: {  	_ =	shalt  }
0x63: {  	_ =	shalt  }
0x64: {  	_ =	shalt  }
0x65: {  	_ =	shalt  }
0x66: {  	_ =	shalt  }
0x67: {  	_ =	shalt  }
0x68: {  	_ =	shalt  }
0x69: {  	_ =	shalt  }
0x6a: {  	_ =	shalt  }
0x6b: {  	_ =	shalt  }
0x6c: {  	_ =	shalt  }
0x6d: {  	_ =	shalt  }
0x6e: {  	_ =	shalt  }
0x6f: {  	_ =	shalt  }
0x70: {  	_ =	shalt  }
0x71: {  	_ =	shalt  }
0x72: {  	_ =	shalt  }
0x73: {  	_ =	shalt  }
0x74: {  	_ =	shalt  }
0x75: {  	_ =	shalt  }
0x76: {  	_ =	shalt  }
0x77: {  	_ =	shalt  }
0x78: {  	_ =	shalt  }
0x79: {  	_ =	shalt  }
0x7a: {  	_ =	shalt  }
0x7b: {  	_ =	shalt  }
0x7c: {  	_ =	shalt  }
0x7d: {  	_ =	shalt  }
0x7e: {  	_ =	shalt  }
0x7f: {  	_ =	shalt  }
0x80: {  	_ =	shalt  }
0x81: {  	_ =	shalt  }
0x82: {  	_ =	shalt  }
0x83: {  	_ =	shalt  }
0x84: {  	_ =	shalt  }
0x85: {  	_ =	shalt  }
0x86: {  	_ =	shalt  }
0x87: {  	_ =	shalt  }
.Lfunc_end0:
.L_simem_size_0:
called_computation_lowered:
.L_overlay_start_0:
0x88: {  	s2 =	sld [smem:$0x3FD9]  }
0x89: {  	s3 =	sld [smem:$0x3FFE];
	_ =	sdelay $0x1  }
0x8a: {  	s1 =	srdreg.scid  }
0x8b: {  	s0 =	sand.u32 $0x1, s1  }
0x8c: {  	s15 =	sshll.u32 s0, $0xA;
	s2 =	sadd.s32 s3, s2  }
0x8d: {  	s2 =	sadd.s32 s2, s15  }
0x8e: {  	[smem:$0x3FC1] =	sst s2  }
0x8f: {  	_ = 	snop  }
0x90: {  	s2 =	sld [smem:$0x3FD0];
	_ =	sdelay $0x2  }
0x91: {  	s4 =	simm.s32 $0xA;
	s5 =	simm.s32 $0x10;
	s16 =	sld [smem:$0x3FC7]  }
0x92: {  	[smem:s5], [sflag:s4] =	dma.local [hbm:s2], $0x1  }
0x93: {  	_ =	swait.eq [sflag:s4], $0x1  }
0x94: {  	[sflag:s4] =	ssyncset.done $0x0  }
0x95: {  	s17 =	sld [smem:$0x13];
	[sflag:s4] =	ssyncadd.s32 $0xFFFFFFFF  }
0x96: {  	s18 =	sld [smem:$0x14];
	(tm) =	ssettm $0x1  }
0x97: {  	s19 =	sld [smem:$0x3FFB];
	_ =	sdelay $0x3  }
0x98: {  	_ =	strace s19  }
0x99: {  	s5 =	sld [smem:$0x3FFC];
	_ =	sdelay $0x3  }
0x9a: {  	_ =	strace s5  }
0x9b: {  	s5 =	sld [smem:$0x3FFD];
	_ =	sdelay $0x3  }
0x9c: {  	_ =	strace s5  }
0x9d: {  	_ =	strace $0x8FFFFFFF  }
0x9e: {  	s20 =	sld [smem:$0x3FDB];
	_ =	sdelay $0x1  }
0x9f: {  	s6 =	simm.s32 $_scs_section_size  }
0xa0: {  	s7 =	simm.s32 $_size__tile_overlayer_lowered;
	s8 =	simm.s32 $_tile_overlayer_lowered  }
0xa1: {  	s23 =	simm.s32 $0x1BFF;
	s22 =	sshll.u32 s8, $0x1;
	s5 =	sadd.s32 s6, s20  }
0xa2: {  	s9 =	simm.s32 $0x0;
	s21 =	sshll.u32 s7, $0x1;
	s7 =	sadd.s32 s22, s5  }
0xa3: {  	[timem:s9], [sflag:s23] =	dma.local [hbm:s7], s21  }
0xa4: {  	_ =	swait.ge [sflag:s23], s21  }
0xa5: {  	s6 =	ssub.s32 $0x0, s21;
	[sflag:s23] =	ssyncset.done $0x0  }
0xa6: {  	[sflag:s23] =	ssyncadd.s32 s6;
	_ =	sdelay $0x1  }
0xa7: {  	s24 =	simm.s32 $0x1B8B  }
0xa8: {  	_ =	swait.ge [sflag:s24], $0x1  }
0xa9: {  	[sflag:s24] =	ssyncset.done $0x0  }
0xaa: {  	s25 =	simm.s32 $0x1B8E;
	[sflag:s24] =	ssyncadd.s32 $0xFFFFFFFF  }
0xab: {  	s26 =	simm.s32 $execute0_lowered;
	[smem:$0x3FD2] =	sst s25  }
0xac: {  	s6 =	sshll.u32 s26, $0x1;
	_ =	strace $0x80000046;
	[dreg:$0x1] =	wrdreg $0xFFFFFFFF  }
0xad: {  	s28 =	simm.s32 $_size_execute0_lowered;
	s5 =	sadd.s32 s5, s6;
	[dreg:$0x0] =	wrdreg $0x0  }
0xae: {  	s6 =	sshll.u32 s28, $0x1;
	[dreg:$0x2] =	wrdreg s5  }
0xaf: {  	[dreg:$0x3] =	wrdreg s6  }
0xb0: {  	[dreg:$0x4] =	wrdreg $0xC0  }
0xb1: {  	_ =	task [dreg:s9], $0x5FFFF  }
0xb2: {  	[dreg:$0x1] =	wrdreg $0xFFFFFFFF  }
0xb3: {  	[dreg:$0x0] =	wrdreg $0x60  }
0xb4: {  	[dreg:$0x2] =	wrdreg s18  }
0xb5: {  	[dreg:$0x3] =	wrdreg s16  }
0xb6: {  	[dreg:$0x4] =	wrdreg s17  }
0xb7: {  	[dreg:$0x5] =	wrdreg $0x9  }
0xb8: {  	_ =	task.clear_ibuf [dreg:s9], $0x6FFFF;
	_ =	strace $0x90000046  }
0xb9: {  	s29 =	simm.s32 $0x9;
	_ =	strace $0x80000048  }
0xba: {  	_ =	swait.ge [sflag:s29], $0x1  }
0xbb: {  	[sflag:s29] =	ssyncadd.s32 $0xFFFFFFFF  }
0xbc: {  	_ =	strace $0x90000048  }
0xbd: {  	_ =	sfence  }
0xbe: {  	s30 =	sld [smem:$0x0];
	_ =	sdelay $0x2  }
0xbf: {  	s31 =	sshll.u32 s1, $0xD;
	s1 =	sshrl.u32 s1, $0x2  }
0xc0: {  	s3 =	sand.u32 $0x4000, s31;
	s1 =	sadd.s32 s1, s30  }
0xc1: {  	s0 =	sor.u32 s3, s0;
	s1 =	sshll.u32 s1, $0x11  }
0xc2: {  	s0 =	sor.u32 s1, s0  }
0xc3: {  	s0 =	sadd.s32 $0x8F2B, s0  }
0xc4: {  	[sflag:s0] =	ssyncadd.remote.s32 $0x1  }
0xc5: {  	_ =	sfence.sel $0xFFFF  }
0xc6: {  	[dreg:$0x0] =	wrdreg $0xFFFFFFFF;
	(pc) =	sbr.abs _section_cstart, $3  }
0xc7: {  	[dreg:$0x1] =	wrdreg $0xFFFFFFFF  }
0xc8: {  	_ =	task.clear_ibuf [dreg:s9], $0x2FFFF;
	_ =	strace $0x9FFFFFFF  }
0xc9: {  	(tm) =	ssettm $0x7FFFFFFF  }
tec
execute0_lowered:
.L_overlay_start_1:
0x0: {  	(tag) =	ssettag $0x1  }
0x1: {  	s0 =	rddreg [dreg:$0x0]  }
0x2: {  	s2 =	rddreg [dreg:$0x1]  }
0x3: {  	s1 =	rddreg [dreg:$0x2]  }
0x4: {  	s3 =	srdreg.scid;
	s5 =	stileid.u32;
	s10 =	simm.s32 $0x2  }
0x5: {  	s11 =	simm.s32 $0x80;
	s12 =	simm.s32 $0x200;
	s13 =	simm.s32 $0xA00  }
0x6: {  	s21 =	simm.s32 $0xC00;
	s30 =	simm.s32 $0xE00;
	s17 =	simm.s32 $0x800  }
0x7: {  	s18 =	simm.s32 $0x1000;
	s19 =	simm.s32 $0x880;
	s20 =	simm.s32 $0x1080  }
0x8: {  	s22 =	simm.s32 $0x900;
	s23 =	simm.s32 $0x1100;
	s24 =	simm.s32 $0x980  }
0x9: {  	s25 =	simm.s32 $0x1180;
	s28 =	simm.s32 $0x0;
	s4 =	sand.u32 $0x1, s3  }
0xa: {  	s3 =	simm.s32 $0x0;
	s5 =	sshll.u32 s5, $0xA;
	s6 =	sshll.u32 s4, $0x9  }
0xb: {  	[smem:$0x7FF] =	sst s3;
	s26 =	ssub.s32 $0x2, s4;
	s5 =	sor.u32 s6, s5  }
0xc: {  	_ =	strace $0x80000047;
	s7 =	sshrl.u32 s26, $0x1;
	s29 =	sshrl.u32 s5, $0x1  }
0xd: {  	s5 =	sshrl.u32 s5, $0x3;
	s31 =	ssub.s32 s26, s7;
	s26 =	simm.s32 $0x1  }
0xe: {  	s4 =	sadd.s32 s1, s29;
	s5 =	sadd.s32 s0, s5;
	s9 =	smax.u32 s31, $0x1  }
0xf: {  	s6 =	sadd.s32 $0x10, s4;
	s7 =	sadd.s32 $0x20, s4;
	s8 =	sadd.s32 $0x30, s4  }
.LBB2_1:
0x10: {  	[tilespmem:s3], [sflag:$0x2] =	stream.linear.gather [hbm4b:s5+s3], $0x200, $0x38;
	[tilespmem:$0x1200] =	vst v63  }
0x11: {  	_ =	swait.ge [sflag:s10], $0x200  }
0x12: {  	[sflag:s10] =	ssyncset.done $0x0  }
0x13: {  	s0 =	simm.s32 $0x0;
	[sflag:s10] =	ssyncadd.s32 $0xFFFFFE00  }
0x14: {  	v0 =	vld [tilespmem:s0+$0x0];
	_ =	sdelay $0x4  }
0x15: {  	v1 =	vshrl.u32 v0, $0xA  }
0x16: {  	v2 =	vand.u32 $0x3FF, v0;
	v0 =	vmul.u32 $0x3D090C00, v1;
	v3 =	vmul.u32 $0x3D098400, v1  }
0x17: {  	v4 =	vmul.u32 $0xF4265, v2;
	v5 =	vmul.u32 $0xF4243, v1;
	v6 =	vmul.u32 $0xF4267, v2  }
0x18: {  	v7 =	vmul.u32 $0x3D099C00, v1;
	v9 =	vmul.u32 $0xF4267, v1;
	v10 =	vmul.u32 $0xF4261, v2  }
0x19: {  	v11 =	vmul.u32 $0xF4265, v1;
	v2 =	vmul.u32 $0xF4243, v2;
	v8 =	vand.u32 $0x7FFFFC00, v0  }
0x1a: {  	v3 =	vand.u32 $0x7FFFFC00, v3;
	v0 =	vshrl.u32 v5, $0x15;
	v7 =	vand.u32 $0x7FFFFC00, v7  }
0x1b: {  	v5 =	vmul.u32 $0xF4261, v1;
	v9 =	vshrl.u32 v9, $0x15;
	v6 =	vadd.s32 v7, v6  }
0x1c: {  	v7 =	vadd.s32 v3, v10;
	v3 =	vmul.u32 $0x3D099400, v1;
	v6 =	vadd.s32 v9, v6  }
0x1d: {  	v1 =	vshrl.u32 v11, $0x15;
	v9 =	vadd.s32 $0x6000017, v6;
	v6 =	vadd.s32 $0x86000018, v6  }
0x1e: {  	v2 =	vadd.s32 v8, v2;
	v5 =	vshrl.u32 v5, $0x15;
	v6 =	vmin.u32 v6, v9  }
0x1f: {  	s29 =	sand.u32 $0x70, s3;
	s16 =	simm.s32 $0x0;
	v3 =	vand.u32 $0x7FFFFC00, v3;
	v5 =	vadd.s32 v5, v7;
	v9 =	vshll.u32 v6, $0x2  }
0x20: {  	s1 =	simm.s32 $0x10;
	s31 =	sand.u32 $0x180, s16;
	s0 =	simm.s32 $0x0;
	v3 =	vadd.s32 v3, v4;
	v4 =	vand.u32 $0x7F, v6;
	v6 =	vand.u32 $0xFFFE00, v9  }
.LBB2_2:
0x21: {  	v7 =	vadd.s32 $0x1800013, v5;
	s14 =	smov.u32 s1  }
0x22: {  	s15 =	sand.u32 $0x70, s1;
	v5 =	vadd.s32 $0x81800014, v5;
	v4 =	vor.u32 v6, v4;
	s0 =	sadd.s32 $0x40, s0;
	v1 =	vadd.s32 v1, v3;
	s14 =	sadd.s32 $0x10, s1  }
0x23: {  	p0 =	sne.s32 s1, $0x1F0;
	s16 =	sshrl.u32 s0, $0x2;
	s1 =	sor.u32 s29, s31;
	v5 =	vmin.u32 v5, v7;
	v3 =	vor.u32 $0x180, v4;
	v6 =	vadd.s32 $0x3000005, v1  }
0x24: {  	v1 =	vadd.s32 $0x83000006, v1;
	s29 =	smov.u32 s15;
	s31 =	sand.u32 $0x180, s16;
	v4 =	vshll.u32 v5, $0x2;
	[tilespmem:s1+$0x800] =	vst v3  }
0x25: {  	v0 =	vadd.s32 v0, v2;
	v2 =	vand.u32 $0x7F, v5;
	v1 =	vmin.u32 v1, v6  }
0x26: {  	v0 =	vadd.s32 $0xC00005, v0;
	v3 =	vshll.u32 v1, $0x2;
	v1 =	vand.u32 $0x7F, v1  }
0x27: {  	v5 =	vadd.s32 $0x80000001, v0;
	v4 =	vand.u32 $0xFFFE00, v4;
	v3 =	vand.u32 $0xFFFE00, v3  }
0x28: {  	v0 =	vmin.u32 v5, v0;
	v2 =	vor.u32 v4, v2;
	v1 =	vor.u32 v3, v1  }
0x29: {  	v3 =	vshll.u32 v0, $0x2;
	v2 =	vor.u32 $0x80, v2;
	v1 =	vor.u32 $0x100, v1  }
0x2a: {  	v0 =	vand.u32 $0x7F, v0;
	v3 =	vand.u32 $0xFFFE00, v3;
	[tilespmem:s1+$0x400] =	vst v2  }
0x2b: {  	v0 =	vor.u32 v0, v3;
	[tilespmem:s1+$0x600] =	vst v1  }
0x2c: {  	s15 =	sshra.s32 s0, $0x2;
	[tilespmem:s1+$0x200] =	vst v0  }
0x2d: {  	v0 =	vld [tilespmem:s15+$0x0];
	_ =	sdelay $0x4  }
0x2e: {  	v2 =	vshrl.u32 v0, $0xA;
	v3 =	vand.u32 $0x3FF, v0  }
0x2f: {  	v0 =	vmul.u32 $0x3D090C00, v2;
	v1 =	vmul.u32 $0x3D098400, v2;
	v4 =	vmul.u32 $0xF4265, v3  }
0x30: {  	v5 =	vmul.u32 $0xF4243, v2;
	v6 =	vmul.u32 $0xF4267, v3;
	v7 =	vmul.u32 $0x3D099C00, v2  }
0x31: {  	v9 =	vmul.u32 $0xF4267, v2;
	v8 =	vand.u32 $0x7FFFFC00, v0;
	v1 =	vand.u32 $0x7FFFFC00, v1  }
0x32: {  	v10 =	vmul.u32 $0xF4261, v3;
	v0 =	vshrl.u32 v5, $0x15;
	v5 =	vmul.u32 $0xF4261, v2  }
0x33: {  	v11 =	vmul.u32 $0xF4265, v2;
	v9 =	vshrl.u32 v9, $0x15;
	v7 =	vand.u32 $0x7FFFFC00, v7  }
0x34: {  	v10 =	vadd.s32 v1, v10;
	v6 =	vadd.s32 v7, v6;
	v5 =	vshrl.u32 v5, $0x15  }
.Ltmp0:
0x35: {  	v2 =	vmul.u32 $0x3D099400, v2;
	v1 =	vshrl.u32 v11, $0x15;
	v6 =	vadd.s32 v9, v6;
	(pc) =	sbr.rel @p0 .LBB2_2-.Ltmp0, $4  }
0x36: {  	v7 =	vmul.u32 $0xF4243, v3;
	v3 =	vadd.s32 $0x6000017, v6;
	v6 =	vadd.s32 $0x86000018, v6  }
0x37: {  	v2 =	vand.u32 $0x7FFFFC00, v2;
	v6 =	vmin.u32 v6, v3  }
0x38: {  	v3 =	vadd.s32 v2, v4;
	v9 =	vshll.u32 v6, $0x2;
	v4 =	vand.u32 $0x7F, v6  }
0x39: {  	s1 =	smov.u32 s14;
	v5 =	vadd.s32 v5, v10;
	v2 =	vadd.s32 v8, v7;
	v6 =	vand.u32 $0xFFFE00, v9  }
0x3a: {  	v7 =	vadd.s32 $0x1800013, v5;
	v57 =	vadd.s32 $0x81800014, v5  }
0x3b: {  	v4 =	vor.u32 v6, v4;
	v1 =	vadd.s32 v1, v3;
	v0 =	vadd.s32 v0, v2  }
0x3c: {  	v5 =	vmin.u32 v57, v7;
	v58 =	vor.u32 $0x180, v4;
	v59 =	vadd.s32 $0x3000005, v1  }
0x3d: {  	v1 =	vadd.s32 $0x83000006, v1;
	v0 =	vadd.s32 $0xC00005, v0;
	v60 =	vshll.u32 v5, $0x2  }
0x3e: {  	v1 =	vmin.u32 v1, v59;
	v61 =	vand.u32 $0x7F, v5;
	v62 =	vadd.s32 $0x80000001, v0  }
0x3f: {  	v4 =	vshll.u32 v1, $0x2;
	v1 =	vand.u32 $0x7F, v1;
	v6 =	vand.u32 $0xFFFE00, v60  }
0x40: {  	s0 =	sor.u32 s29, s31;
	v0 =	vmin.u32 v62, v0;
	v4 =	vand.u32 $0xFFFE00, v4;
	v2 =	vor.u32 v6, v61  }
0x41: {  	[tilespmem:s0+$0x800] =	vst v58;
	v63 =	vshll.u32 v0, $0x2;
	v1 =	vor.u32 v4, v1;
	v2 =	vor.u32 $0x80, v2  }
0x42: {  	v0 =	vand.u32 $0x7F, v0;
	v3 =	vand.u32 $0xFFFE00, v63;
	v1 =	vor.u32 $0x100, v1;
	[tilespmem:s0+$0x400] =	vst v2  }
0x43: {  	v0 =	vor.u32 v0, v3;
	[tilespmem:s0+$0x600] =	vst v1  }
0x44: {  	[tilespmem:s0+$0x200] =	vst v0  }
0x45: {  	[tilespmem:s13], [sflag:$0x1] =	stream.indirect.gather [hbm4b:s2+s11], $0x1, s12, s11, $0xb8;
	[tilespmem:$0x1200] =	vst v63  }
0x46: {  	s16 =	simm.s32 $0x280;
	s1 =	simm.s32 $0xA80  }
0x47: {  	[tilespmem:s1], [sflag:$0x1] =	stream.indirect.gather [hbm4b:s2+s11], $0x1, s16, s11, $0xb8;
	[tilespmem:$0x1200] =	vst v63  }
0x48: {  	s29 =	simm.s32 $0x300;
	s31 =	simm.s32 $0xB00  }
0x49: {  	[tilespmem:s31], [sflag:$0x1] =	stream.indirect.gather [hbm4b:s2+s11], $0x1, s29, s11, $0xb8;
	[tilespmem:$0x1200] =	vst v63  }
0x4a: {  	s14 =	simm.s32 $0x380;
	s15 =	simm.s32 $0xB80  }
0x4b: {  	[tilespmem:s15], [sflag:$0x1] =	stream.indirect.gather [hbm4b:s2+s11], $0x1, s14, s11, $0xb8;
	[tilespmem:$0x1200] =	vst v63  }
0x4c: {  	s16 =	simm.s32 $0x400  }
0x4d: {  	[tilespmem:s21], [sflag:$0x1] =	stream.indirect.gather [hbm4b:s2+s11], $0x1, s16, s11, $0xb8;
	[tilespmem:$0x1200] =	vst v63  }
0x4e: {  	s29 =	simm.s32 $0x480;
	s31 =	simm.s32 $0xC80  }
0x4f: {  	[tilespmem:s31], [sflag:$0x1] =	stream.indirect.gather [hbm4b:s2+s11], $0x1, s29, s11, $0xb8;
	[tilespmem:$0x1200] =	vst v63  }
0x50: {  	s14 =	simm.s32 $0x500;
	s15 =	simm.s32 $0xD00  }
0x51: {  	[tilespmem:s15], [sflag:$0x1] =	stream.indirect.gather [hbm4b:s2+s11], $0x1, s14, s11, $0xb8;
	[tilespmem:$0x1200] =	vst v63  }
0x52: {  	s16 =	simm.s32 $0x580;
	s29 =	simm.s32 $0xD80  }
0x53: {  	[tilespmem:s29], [sflag:$0x1] =	stream.indirect.gather [hbm4b:s2+s11], $0x1, s16, s11, $0xb8;
	[tilespmem:$0x1200] =	vst v63  }
0x54: {  	s31 =	simm.s32 $0x600  }
0x55: {  	[tilespmem:s30], [sflag:$0x1] =	stream.indirect.gather [hbm4b:s2+s11], $0x1, s31, s11, $0xb8;
	[tilespmem:$0x1200] =	vst v63  }
0x56: {  	s1 =	simm.s32 $0x680;
	s14 =	simm.s32 $0xE80  }
0x57: {  	[tilespmem:s14], [sflag:$0x1] =	stream.indirect.gather [hbm4b:s2+s11], $0x1, s1, s11, $0xb8;
	[tilespmem:$0x1200] =	vst v63  }
0x58: {  	s15 =	simm.s32 $0x700;
	s16 =	simm.s32 $0xF00  }
0x59: {  	[tilespmem:s16], [sflag:$0x1] =	stream.indirect.gather [hbm4b:s2+s11], $0x1, s15, s11, $0xb8;
	[tilespmem:$0x1200] =	vst v63  }
0x5a: {  	s29 =	simm.s32 $0x780;
	s31 =	simm.s32 $0xF80  }
0x5b: {  	[tilespmem:s31], [sflag:$0x1] =	stream.indirect.gather [hbm4b:s2+s11], $0x1, s29, s11, $0xb8;
	[tilespmem:$0x1200] =	vst v63  }
0x5c: {  	_ = 	snop  }
0x5d: {  	[tilespmem:s18], [sflag:$0x1] =	stream.indirect.gather [hbm4b:s2+s11], $0x1, s17, s11, $0xb8;
	[tilespmem:$0x1200] =	vst v63  }
0x5e: {  	_ = 	snop  }
0x5f: {  	[tilespmem:s20], [sflag:$0x1] =	stream.indirect.gather [hbm4b:s2+s11], $0x1, s19, s11, $0xb8;
	[tilespmem:$0x1200] =	vst v63  }
0x60: {  	_ = 	snop  }
0x61: {  	[tilespmem:s23], [sflag:$0x1] =	stream.indirect.gather [hbm4b:s2+s11], $0x1, s22, s11, $0xb8;
	[tilespmem:$0x1200] =	vst v63  }
0x62: {  	_ = 	snop  }
0x63: {  	[tilespmem:s25], [sflag:$0x1] =	stream.indirect.gather [hbm4b:s2+s11], $0x1, s24, s11, $0xb8;
	[tilespmem:$0x1200] =	vst v63  }
0x64: {  	_ =	swait.ge [sflag:s26], $0x80  }
0x65: {  	[sflag:s26] =	ssyncset.done $0x0  }
0x66: {  	[sflag:s26] =	ssyncadd.s32 $0xFFFFFF80  }
0x67: {  	_ =	swait.ge [sflag:s26], $0x80  }
0x68: {  	[sflag:s26] =	ssyncset.done $0x0  }
0x69: {  	[sflag:s26] =	ssyncadd.s32 $0xFFFFFF80  }
0x6a: {  	_ =	swait.ge [sflag:s26], $0x80  }
0x6b: {  	[sflag:s26] =	ssyncset.done $0x0  }
0x6c: {  	[sflag:s26] =	ssyncadd.s32 $0xFFFFFF80  }
0x6d: {  	_ =	swait.ge [sflag:s26], $0x80  }
0x6e: {  	[sflag:s26] =	ssyncset.done $0x0  }
0x6f: {  	[sflag:s26] =	ssyncadd.s32 $0xFFFFFF80  }
0x70: {  	_ =	swait.ge [sflag:s26], $0x80  }
0x71: {  	[sflag:s26] =	ssyncset.done $0x0  }
0x72: {  	[sflag:s26] =	ssyncadd.s32 $0xFFFFFF80  }
0x73: {  	_ =	swait.ge [sflag:s26], $0x80  }
0x74: {  	[sflag:s26] =	ssyncset.done $0x0  }
0x75: {  	[sflag:s26] =	ssyncadd.s32 $0xFFFFFF80  }
0x76: {  	_ =	swait.ge [sflag:s26], $0x80  }
0x77: {  	[sflag:s26] =	ssyncset.done $0x0  }
0x78: {  	[sflag:s26] =	ssyncadd.s32 $0xFFFFFF80  }
0x79: {  	_ =	swait.ge [sflag:s26], $0x80  }
0x7a: {  	[sflag:s26] =	ssyncset.done $0x0  }
0x7b: {  	[sflag:s26] =	ssyncadd.s32 $0xFFFFFF80  }
0x7c: {  	_ =	swait.ge [sflag:s26], $0x80  }
0x7d: {  	[sflag:s26] =	ssyncset.done $0x0  }
0x7e: {  	[sflag:s26] =	ssyncadd.s32 $0xFFFFFF80  }
0x7f: {  	_ =	swait.ge [sflag:s26], $0x80  }
0x80: {  	[sflag:s26] =	ssyncset.done $0x0  }
0x81: {  	[sflag:s26] =	ssyncadd.s32 $0xFFFFFF80  }
0x82: {  	_ =	swait.ge [sflag:s26], $0x80  }
0x83: {  	[sflag:s26] =	ssyncset.done $0x0  }
0x84: {  	[sflag:s26] =	ssyncadd.s32 $0xFFFFFF80  }
0x85: {  	_ =	swait.ge [sflag:s26], $0x80  }
0x86: {  	[sflag:s26] =	ssyncset.done $0x0  }
0x87: {  	[sflag:s26] =	ssyncadd.s32 $0xFFFFFF80  }
0x88: {  	_ =	swait.ge [sflag:s26], $0x80  }
0x89: {  	[sflag:s26] =	ssyncset.done $0x0  }
0x8a: {  	[sflag:s26] =	ssyncadd.s32 $0xFFFFFF80  }
0x8b: {  	_ =	swait.ge [sflag:s26], $0x80  }
0x8c: {  	[sflag:s26] =	ssyncset.done $0x0  }
0x8d: {  	[sflag:s26] =	ssyncadd.s32 $0xFFFFFF80  }
0x8e: {  	_ =	swait.ge [sflag:s26], $0x80  }
0x8f: {  	[sflag:s26] =	ssyncset.done $0x0  }
0x90: {  	[sflag:s26] =	ssyncadd.s32 $0xFFFFFF80  }
0x91: {  	_ =	swait.ge [sflag:s26], $0x80  }
0x92: {  	[sflag:s26] =	ssyncset.done $0x0  }
0x93: {  	[sflag:s26] =	ssyncadd.s32 $0xFFFFFF80  }
0x94: {  	[hbm4b:s4+s11] =	stream.strided.scatter [tilespmem:s13], [sflag:$0x2], $0x200, s12, s11, $0x38;
	[tilespmem:$0x1200] =	vst v63  }
0x95: {  	_ =	swait.ge [sflag:s10], $0x200  }
0x96: {  	[sflag:s10] =	ssyncset.done $0x0  }
0x97: {  	[sflag:s10] =	ssyncadd.s32 $0xFFFFFE00  }
0x98: {  	[hbm4b:s6+s11] =	stream.strided.scatter [tilespmem:s21], [sflag:$0x2], $0x200, s12, s11, $0x38;
	[tilespmem:$0x1200] =	vst v63  }
0x99: {  	_ =	swait.ge [sflag:s10], $0x200  }
0x9a: {  	[sflag:s10] =	ssyncset.done $0x0  }
0x9b: {  	[sflag:s10] =	ssyncadd.s32 $0xFFFFFE00  }
0x9c: {  	[hbm4b:s7+s11] =	stream.strided.scatter [tilespmem:s30], [sflag:$0x2], $0x200, s12, s11, $0x38;
	[tilespmem:$0x1200] =	vst v63  }
0x9d: {  	s28 =	sadd.s32 $0x1, s28;
	_ =	swait.ge [sflag:s10], $0x200  }
0x9e: {  	p0 =	sne.s32 s28, s9;
	[sflag:s10] =	ssyncset.done $0x0  }
.Ltmp1:
0x9f: {  	[sflag:s10] =	ssyncadd.s32 $0xFFFFFE00;
	(pc) =	sbr.rel @p0 .LBB2_1-.Ltmp1, $4  }
0xa0: {  	[hbm4b:s8+s11] =	stream.strided.scatter [tilespmem:s18], [sflag:$0x2], $0x200, s12, s11, $0x38;
	[tilespmem:$0x1200] =	vst v63  }
0xa1: {  	_ =	swait.ge [sflag:s10], $0x200  }
0xa2: {  	[sflag:s10] =	ssyncset.done $0x0  }
0xa3: {  	[sflag:s10] =	ssyncadd.s32 $0xFFFFFE00  }
0xa4: {  	_ =	sfence.sel $0x180000  }
0xa5: {  	[bflag:$0x0] =	sbarrier.arrive $0xFFFF  }
0xa6: {  	_ =	strace $0x90000047  }
0xa7: {  	s0 =	stileid.u32;
	[bflag:$0x2] =	sbarrier.arrive $0xFFFF  }
0xa8: {  	p0 =	sne.s32 s0, $0x0;
	s0 =	rddreg [dreg:$0x3]  }
0xa9: {  	s0 =	sadd.s32 @!p0 $0x100000, s0  }
0xaa: {  	[sflag:s0] =	ssyncadd.tile.s32 @!p0 $0x1;
	_ =	shalt  }
.Lfunc_end2:
_tile_overlayer_lowered:
.L_overlay_start_2:
0xab: {  	(tag) =	ssettag $0x2  }
0xac: {  	s0 =	rddreg [dreg:$0x0];
	s2 =	stileid.u32  }
0xad: {  	s1 =	rddreg [dreg:$0x1];
	p0 =	sne.s32 s2, $0x0  }
0xae: {  	s3 =	rddreg [dreg:$0x2];
	[bflag:$0x3] =	sbarrier.arrive $0xFFFF;
	s2 =	simm.s32 @!p0 $0x1C02  }
0xaf: {  	[timem:s3], [sflag:s2] =	dma.local @!p0 [hbm:s0], s1  }
0xb0: {  	s0 =	simm.s32 @!p0 $0x2  }
0xb1: {  	_ =	swait.ge @!p0 [sflag:s0], s1  }
0xb2: {  	s1 =	ssub.s32 @!p0 $0x0, s1;
	[sflag:s0] =	ssyncset.done @!p0 $0x0  }
0xb3: {  	[sflag:s0] =	ssyncadd.s32 @!p0 s1  }
0xb4: {  	[bflag:$0x3] =	sbarrier.arrive $0xFFFF  }
0xb5: {  	_ =	shalt  }

</sc_bundles>
